<compile_context>
chip_gen: v7x
topology: tpu7x:2x2x1
jax: 0.10.2.dev20260603
libtpu: 0.0.44.dev20260713+nightly
codegen_flags: <defaults>
</compile_context>

<pallas_src>
import functools

import jax
import jax.numpy as jnp
from jax import lax
from jax.experimental import pallas as pl
from jax.experimental.pallas import tpu as pltpu
from jax.experimental.pallas import tpu_sc as plsc

C = 256
K = 8192
K_TILE = 2048
R = 2304
NW = 32
BPW = R // NW
LANES = 16


def _argmin_kernel(r_ref, mus_ref, rn_ref, mn_ref, ids_ref,
                   rd_ref, rmin_ref, ridx_ref):
    k = pl.program_id(0)
    nk = pl.num_programs(0)

    @pl.when(k == 0)
    def _():
        rd_ref[...] = r_ref[...] * 2.0

    rd = rd_ref[...]
    mt = mus_ref[...]
    e2 = lax.dot_general(rd, mt, (((1,), (1,)), ((), ())),
                         preferred_element_type=jnp.float32)
    rn = rn_ref[...]
    mn = mn_ref[...]
    d = (rn + mn) - e2
    m = jnp.min(d, axis=1, keepdims=True)
    iota = lax.broadcasted_iota(jnp.int32, (1, K_TILE), 1).astype(jnp.float32)
    lif = jnp.min(jnp.where(d == m, iota, float(K)), axis=1, keepdims=True)
    li = lif.astype(jnp.int32) + k * K_TILE

    @pl.when(k == 0)
    def _():
        rmin_ref[...] = m
        ridx_ref[...] = li

    @pl.when(k > 0)
    def _():
        pm = rmin_ref[...]
        pi = ridx_ref[...]
        better = m < pm
        rmin_ref[...] = jnp.where(better, m, pm)
        ridx_ref[...] = jnp.where(better, li, pi)

    @pl.when(k == nk - 1)
    def _():
        ids_ref[...] = ridx_ref[...]


def _tc_argmin(r, mus_i, rn, mn):
    return pl.pallas_call(
        _argmin_kernel,
        grid=(K // K_TILE,),
        in_specs=[
            pl.BlockSpec((R, C), lambda k: (0, 0)),
            pl.BlockSpec((K_TILE, C), lambda k: (k, 0)),
            pl.BlockSpec((R, 1), lambda k: (0, 0)),
            pl.BlockSpec((1, K_TILE), lambda k: (0, k)),
        ],
        out_specs=pl.BlockSpec((R, 1), lambda k: (0, 0)),
        out_shape=jax.ShapeDtypeStruct((R, 1), jnp.int32),
        scratch_shapes=[
            pltpu.VMEM((R, C), jnp.float32),
            pltpu.VMEM((R, 1), jnp.float32),
            pltpu.VMEM((R, 1), jnp.int32),
        ],
    )(r, mus_i, rn, mn)


_NC = 2


def _sc_sub_body(tab_hbm, idx_hbm, a_hbm, out_hbm, idx_v, g_v, a_v, sem):
    wid = lax.axis_index("s") * _NC + lax.axis_index("c")
    base = wid * BPW
    pltpu.sync_copy(idx_hbm.at[pl.ds(base, BPW)], idx_v)
    cp = pltpu.async_copy(tab_hbm.at[idx_v], g_v, sem)
    pltpu.sync_copy(a_hbm.at[pl.ds(base, BPW)], a_v)
    cp.wait()

    def row(i, c):
        for j in range(C // LANES):
            s = pl.ds(j * LANES, LANES)
            a_v[i, s] = a_v[i, s] - g_v[i, s]
        return c

    lax.fori_loop(0, BPW, row, 0)
    pltpu.sync_copy(a_v, out_hbm.at[pl.ds(base, BPW)])


def _sc_final_body(tab_hbm, idx_hbm, a_hbm, z_hbm, out_hbm,
                   idx_v, g_v, a_v, z_v, sem):
    wid = lax.axis_index("s") * _NC + lax.axis_index("c")
    base = wid * BPW
    pltpu.sync_copy(idx_hbm.at[pl.ds(base, BPW)], idx_v)
    cp = pltpu.async_copy(tab_hbm.at[idx_v], g_v, sem)
    pltpu.sync_copy(a_hbm.at[pl.ds(base, BPW)], a_v)
    pltpu.sync_copy(z_hbm.at[pl.ds(base, BPW)], z_v)
    cp.wait()

    def row(i, c):
        for j in range(C // LANES):
            s = pl.ds(j * LANES, LANES)
            a_v[i, s] = z_v[i, s] - (a_v[i, s] - g_v[i, s])
        return c

    lax.fori_loop(0, BPW, row, 0)
    pltpu.sync_copy(a_v, out_hbm.at[pl.ds(base, BPW)])


@functools.lru_cache(maxsize=None)
def _sc_kernels():
    mesh = plsc.VectorSubcoreMesh(core_axis_name="c", subcore_axis_name="s")
    sub = pl.kernel(
        _sc_sub_body,
        out_type=jax.ShapeDtypeStruct((R, C), jnp.float32),
        mesh=mesh,
        scratch_types=[
            pltpu.VMEM((BPW,), jnp.int32),
            pltpu.VMEM((BPW, C), jnp.float32),
            pltpu.VMEM((BPW, C), jnp.float32),
            pltpu.SemaphoreType.DMA,
        ],
    )
    final = pl.kernel(
        _sc_final_body,
        out_type=jax.ShapeDtypeStruct((R, C), jnp.float32),
        mesh=mesh,
        scratch_types=[
            pltpu.VMEM((BPW,), jnp.int32),
            pltpu.VMEM((BPW, C), jnp.float32),
            pltpu.VMEM((BPW, C), jnp.float32),
            pltpu.VMEM((BPW, C), jnp.float32),
            pltpu.SemaphoreType.DMA,
        ],
    )
    return sub, final


def _sc_gather_sub(tab, idx, a):
    return _sc_kernels()[0](tab, idx, a)


def _sc_gather_final(tab, idx, a, z):
    return _sc_kernels()[1](tab, idx, a, z)


def kernel(z, mus):
    b, n, c = z.shape
    zf = z.reshape(b * n, c)
    mn0 = jnp.sum(mus[0] ** 2, axis=-1).reshape(1, K)
    mn1 = jnp.sum(mus[1] ** 2, axis=-1).reshape(1, K)
    rn1 = jnp.sum(z ** 2, axis=-1, keepdims=True).reshape(b * n, 1)
    ids1 = _tc_argmin(zf, mus[0], rn1, mn0).reshape(b * n)
    r2 = _sc_gather_sub(mus[0], ids1, zf)
    rn2 = jnp.sum(r2.reshape(b, n, c) ** 2, axis=-1, keepdims=True).reshape(b * n, 1)
    ids2 = _tc_argmin(r2, mus[1], rn2, mn1).reshape(b * n)
    zq = _sc_gather_final(mus[1], ids2, r2, zf)
    ids = jnp.stack([ids1.reshape(b, n), ids2.reshape(b, n)], axis=0)
    return ids, zq.reshape(b, n, c)

# --- scband reference (transcript-rebuilt; emitter-appended) ---
"""Pipeline reference for scband-pre-trained-probabilistic-vq-62569083568266 (READ-ONLY COPY).

The authoritative reference and input builder live on the scoring server;
editing this copy changes nothing except your own understanding.
"""

import jax, jax.numpy as jnp
import numpy as np

CHANNELS = 256
NUM_MIXTURES = 8192
DEPTH = 2


def setup_inputs(seed: int = 0) -> dict:
    key = jax.random.key(seed)
    k1, k2 = jax.random.split(key)
    z = jax.random.normal(k1, (4, 576, CHANNELS), dtype=jnp.float32)
    # Materialize mus_list as a stacked parameter [depth, K, C],
    # matching the torch init: L2-normalized rows scaled by (depth - i) / depth.
    mus = jax.random.normal(k2, (DEPTH, NUM_MIXTURES, CHANNELS), dtype=jnp.float32)
    mus = mus / jnp.sqrt(jnp.sum(mus ** 2, axis=-1, keepdims=True))
    scale = jnp.array([(DEPTH - i) / DEPTH for i in range(DEPTH)], dtype=jnp.float32)
    mus = mus * scale[:, None, None]
    return {"z": z, "mus": mus}


def _dist_sq(r, mus_i):
    # r: [b, n, h]; mus_i: [v, h]
    # ||r||^2 + ||mu||^2 - 2 r.mu  -> [b, n, v]
    return (jnp.sum(r ** 2, axis=-1, keepdims=True)
            + jnp.sum(mus_i ** 2, axis=-1)
            - 2.0 * jnp.einsum('bnh,vh->bnv', r, mus_i))


def reference(z, mus):
    # Faithful translation of PreTrainedProbabilisticVQ.encode(z, return_z_q=True)
    # (the module defines no forward; encode is its main entry point).
    r = z
    ids_sel = []
    for i in range(mus.shape[0]):
        mus_i = mus[i]
        d = _dist_sq(r, mus_i)
        idx_sel = jnp.argmin(d, axis=-1)            # [b, n] int
        r = r - jnp.take(mus_i, idx_sel, axis=0)    # embedding gather
        ids_sel.append(idx_sel)
    z_q = z - r
    return (jnp.stack(ids_sel, axis=0), z_q)

if __name__ == "__main__":
    import jax
    _d = setup_inputs()
    print(jax.jit(kernel)(*tuple(_d.values())))

</pallas_src>

<mosaic_0001>
#map = affine_map<(d0, d1) -> (0, 0)>
#map1 = affine_map<(d0, d1) -> (0)>
module attributes {stable_mosaic.version = 14 : i64} {
  func.func @_sc_final_body(%arg0: i32, %arg1: i32, %arg2: memref<8192x256xf32, #tpu.memory_space<hbm>>, %arg3: memref<2304xi32, #tpu.memory_space<hbm>>, %arg4: memref<2304x256xf32, #tpu.memory_space<hbm>>, %arg5: memref<2304x256xf32, #tpu.memory_space<hbm>>, %arg6: memref<2304x256xf32, #tpu.memory_space<hbm>>, %arg7: memref<72xi32, #tpu.memory_space<vmem>>, %arg8: memref<72x256xf32, #tpu.memory_space<vmem>>, %arg9: memref<72x256xf32, #tpu.memory_space<vmem>>, %arg10: memref<72x256xf32, #tpu.memory_space<vmem>>, %arg11: memref<!tpu.dma_semaphore, #tpu.memory_space<semaphore_mem>>) attributes {dimension_semantics = [#tpu.dimension_semantics<core_parallel>, #tpu.dimension_semantics<subcore_parallel>], iteration_bounds = array<i64: 2, 16>, scalar_prefetch = 0 : i64, scratch_operands = 5 : i64, tpu.core_type = #tpu.core_type<sc_vector_subcore>, window_params = [{transform_indices = #map}, {transform_indices = #map1}, {transform_indices = #map}, {transform_indices = #map}, {transform_indices = #map}]} {
    %mul3A = arith.constant 2 : i32
    %mul3A_0 = arith.muli %arg1, %mul3A : i32
    %add3A = arith.addi %mul3A_0, %arg0 : i32
    %mul3A_1 = arith.constant 72 : i32
    %mul3A_2 = arith.muli %add3A, %mul3A_1 : i32
    "tpu.region"() ({
      %run_scoped3A = tpu.sem_alloc : memref<!tpu.dma_semaphore, #tpu.memory_space<semaphore_mem>>
      %dma_start3A_12 = tpu.memref_slice %arg3[%mul3A_2] : memref<2304xi32, #tpu.memory_space<hbm>> -> memref<72xi32, #tpu.memory_space<hbm>>
      %dma_start3A_13 = tpu.memref_slice %arg3[%mul3A_2] : memref<2304xi32, #tpu.memory_space<hbm>> -> memref<72xi32, #tpu.memory_space<hbm>>
      tpu.enqueue_dma source(%dma_start3A_13 : memref<72xi32, #tpu.memory_space<hbm>>) target(%arg7 : memref<72xi32, #tpu.memory_space<vmem>>) target_semaphore(%run_scoped3A : memref<!tpu.dma_semaphore, #tpu.memory_space<semaphore_mem>>)
      %dma_wait3A_14 = tpu.memref_slice %arg3[%mul3A_2] : memref<2304xi32, #tpu.memory_space<hbm>> -> memref<72xi32, #tpu.memory_space<hbm>>
      %dma_wait3A_15 = tpu.memref_slice %arg3[%mul3A_2] : memref<2304xi32, #tpu.memory_space<hbm>> -> memref<72xi32, #tpu.memory_space<hbm>>
      tpu.wait_dma2 semaphore(%run_scoped3A : memref<!tpu.dma_semaphore, #tpu.memory_space<semaphore_mem>>) src(%dma_wait3A_15 : memref<72xi32, #tpu.memory_space<hbm>>) dst(%arg7 : memref<72xi32, #tpu.memory_space<vmem>>)
      tpu.yield
    }) : () -> ()
    %dma_start3A = arith.constant 0 : i32
    %dma_start3A_3 = arith.constant 0 : i32
    %dma_start3A_4 = tpu.memref_slice %arg2[%dma_start3A, %dma_start3A_3] : memref<8192x256xf32, #tpu.memory_space<hbm>> -> memref<8192x256xf32, #tpu.memory_space<hbm>>
    tpu.enqueue_indirect_dma source(%dma_start3A_4 : memref<8192x256xf32, #tpu.memory_space<hbm>>) target(%arg8 : memref<72x256xf32, #tpu.memory_space<vmem>>) offsets(%arg7 : memref<72xi32, #tpu.memory_space<vmem>>) semaphore(%arg11 : memref<!tpu.dma_semaphore, #tpu.memory_space<semaphore_mem>>)
    "tpu.region"() ({
      %run_scoped3A = tpu.sem_alloc : memref<!tpu.dma_semaphore, #tpu.memory_space<semaphore_mem>>
      %dma_start3A_12 = arith.constant 0 : i32
      %dma_start3A_13 = tpu.memref_slice %arg4[%mul3A_2, %dma_start3A_12] : memref<2304x256xf32, #tpu.memory_space<hbm>> -> memref<72x256xf32, #tpu.memory_space<hbm>>
      %dma_start3A_14 = arith.constant 0 : i32
      %dma_start3A_15 = tpu.memref_slice %arg4[%mul3A_2, %dma_start3A_14] : memref<2304x256xf32, #tpu.memory_space<hbm>> -> memref<72x256xf32, #tpu.memory_space<hbm>>
      tpu.enqueue_dma source(%dma_start3A_15 : memref<72x256xf32, #tpu.memory_space<hbm>>) target(%arg9 : memref<72x256xf32, #tpu.memory_space<vmem>>) target_semaphore(%run_scoped3A : memref<!tpu.dma_semaphore, #tpu.memory_space<semaphore_mem>>)
      %dma_wait3A_16 = arith.constant 0 : i32
      %dma_wait3A_17 = tpu.memref_slice %arg4[%mul3A_2, %dma_wait3A_16] : memref<2304x256xf32, #tpu.memory_space<hbm>> -> memref<72x256xf32, #tpu.memory_space<hbm>>
      %dma_wait3A_18 = arith.constant 0 : i32
      %dma_wait3A_19 = tpu.memref_slice %arg4[%mul3A_2, %dma_wait3A_18] : memref<2304x256xf32, #tpu.memory_space<hbm>> -> memref<72x256xf32, #tpu.memory_space<hbm>>
      tpu.wait_dma2 semaphore(%run_scoped3A : memref<!tpu.dma_semaphore, #tpu.memory_space<semaphore_mem>>) src(%dma_wait3A_19 : memref<72x256xf32, #tpu.memory_space<hbm>>) dst(%arg9 : memref<72x256xf32, #tpu.memory_space<vmem>>)
      tpu.yield
    }) : () -> ()
    "tpu.region"() ({
      %run_scoped3A = tpu.sem_alloc : memref<!tpu.dma_semaphore, #tpu.memory_space<semaphore_mem>>
      %dma_start3A_12 = arith.constant 0 : i32
      %dma_start3A_13 = tpu.memref_slice %arg5[%mul3A_2, %dma_start3A_12] : memref<2304x256xf32, #tpu.memory_space<hbm>> -> memref<72x256xf32, #tpu.memory_space<hbm>>
      %dma_start3A_14 = arith.constant 0 : i32
      %dma_start3A_15 = tpu.memref_slice %arg5[%mul3A_2, %dma_start3A_14] : memref<2304x256xf32, #tpu.memory_space<hbm>> -> memref<72x256xf32, #tpu.memory_space<hbm>>
      tpu.enqueue_dma source(%dma_start3A_15 : memref<72x256xf32, #tpu.memory_space<hbm>>) target(%arg10 : memref<72x256xf32, #tpu.memory_space<vmem>>) target_semaphore(%run_scoped3A : memref<!tpu.dma_semaphore, #tpu.memory_space<semaphore_mem>>)
      %dma_wait3A_16 = arith.constant 0 : i32
      %dma_wait3A_17 = tpu.memref_slice %arg5[%mul3A_2, %dma_wait3A_16] : memref<2304x256xf32, #tpu.memory_space<hbm>> -> memref<72x256xf32, #tpu.memory_space<hbm>>
      %dma_wait3A_18 = arith.constant 0 : i32
      %dma_wait3A_19 = tpu.memref_slice %arg5[%mul3A_2, %dma_wait3A_18] : memref<2304x256xf32, #tpu.memory_space<hbm>> -> memref<72x256xf32, #tpu.memory_space<hbm>>
      tpu.wait_dma2 semaphore(%run_scoped3A : memref<!tpu.dma_semaphore, #tpu.memory_space<semaphore_mem>>) src(%dma_wait3A_19 : memref<72x256xf32, #tpu.memory_space<hbm>>) dst(%arg10 : memref<72x256xf32, #tpu.memory_space<vmem>>)
      tpu.yield
    }) : () -> ()
    %dma_wait3A = arith.constant 0 : i32
    %dma_wait3A_5 = arith.constant 0 : i32
    %dma_wait3A_6 = tpu.memref_slice %arg2[%dma_wait3A, %dma_wait3A_5] : memref<8192x256xf32, #tpu.memory_space<hbm>> -> memref<8192x256xf32, #tpu.memory_space<hbm>>
    tpu.wait_indirect_dma semaphore(%arg11 : memref<!tpu.dma_semaphore, #tpu.memory_space<semaphore_mem>>) src(%dma_wait3A_6 : memref<8192x256xf32, #tpu.memory_space<hbm>>) dst(%arg8 : memref<72x256xf32, #tpu.memory_space<vmem>>)
    %scan3A = arith.constant 0 : i32
    %scan3A_7 = arith.constant 0 : i32
    %scan3A_8 = arith.constant 72 : i32
    %scan3A_9 = arith.addi %scan3A_7, %scan3A_8 : i32
    %scan3A_10 = arith.constant 1 : i32
    scf.for %scan3A_12 = %scan3A_7 to %scan3A_9 step %scan3A_10  : i32 {
      %get3A = arith.index_cast %scan3A_12 : i32 to index
      %get3A_13 = arith.constant 0 : index
      %get3A_14 = tpu.vector_load %arg10[%get3A, %get3A_13] {strides = array<i32>} : memref<72x256xf32, #tpu.memory_space<vmem>>, vector<1x16xf32>,
      %get3A_15 = vector.shape_cast %get3A_14 : vector<1x16xf32> to vector<16xf32>
      %get3A_16 = arith.index_cast %scan3A_12 : i32 to index
      %get3A_17 = arith.constant 0 : index
      %get3A_18 = tpu.vector_load %arg9[%get3A_16, %get3A_17] {strides = array<i32>} : memref<72x256xf32, #tpu.memory_space<vmem>>, vector<1x16xf32>,
      %get3A_19 = vector.shape_cast %get3A_18 : vector<1x16xf32> to vector<16xf32>
      %get3A_20 = arith.index_cast %scan3A_12 : i32 to index
      %get3A_21 = arith.constant 0 : index
      %get3A_22 = tpu.vector_load %arg8[%get3A_20, %get3A_21] {strides = array<i32>} : memref<72x256xf32, #tpu.memory_space<vmem>>, vector<1x16xf32>,
      %get3A_23 = vector.shape_cast %get3A_22 : vector<1x16xf32> to vector<16xf32>
      %sub3A = arith.subf %get3A_19, %get3A_23 : vector<16xf32>
      %sub3A_24 = arith.subf %get3A_15, %sub3A : vector<16xf32>
      %swap3A = arith.index_cast %scan3A_12 : i32 to index
      %swap3A_25 = arith.constant 0 : index
      %swap3A_26 = tpu.vector_load %arg9[%swap3A, %swap3A_25] {strides = array<i32>} : memref<72x256xf32, #tpu.memory_space<vmem>>, vector<1x16xf32>,
      %swap3A_27 = vector.shape_cast %swap3A_26 : vector<1x16xf32> to vector<16xf32>
      %swap3A_28 = vector.shape_cast %sub3A_24 : vector<16xf32> to vector<1x16xf32>
      tpu.vector_store %arg9[%swap3A, %swap3A_25], %swap3A_28 {strides = array<i32>} : memref<72x256xf32, #tpu.memory_space<vmem>>, vector<1x16xf32>,
      %get3A_29 = arith.index_cast %scan3A_12 : i32 to index
      %get3A_30 = arith.constant 16 : index
      %get3A_31 = tpu.vector_load %arg10[%get3A_29, %get3A_30] {strides = array<i32>} : memref<72x256xf32, #tpu.memory_space<vmem>>, vector<1x16xf32>,
      %get3A_32 = vector.shape_cast %get3A_31 : vector<1x16xf32> to vector<16xf32>
      %get3A_33 = arith.index_cast %scan3A_12 : i32 to index
      %get3A_34 = arith.constant 16 : index
      %get3A_35 = tpu.vector_load %arg9[%get3A_33, %get3A_34] {strides = array<i32>} : memref<72x256xf32, #tpu.memory_space<vmem>>, vector<1x16xf32>,
      %get3A_36 = vector.shape_cast %get3A_35 : vector<1x16xf32> to vector<16xf32>
      %get3A_37 = arith.index_cast %scan3A_12 : i32 to index
      %get3A_38 = arith.constant 16 : index
      %get3A_39 = tpu.vector_load %arg8[%get3A_37, %get3A_38] {strides = array<i32>} : memref<72x256xf32, #tpu.memory_space<vmem>>, vector<1x16xf32>,
      %get3A_40 = vector.shape_cast %get3A_39 : vector<1x16xf32> to vector<16xf32>
      %sub3A_41 = arith.subf %get3A_36, %get3A_40 : vector<16xf32>
      %sub3A_42 = arith.subf %get3A_32, %sub3A_41 : vector<16xf32>
      %swap3A_43 = arith.index_cast %scan3A_12 : i32 to index
      %swap3A_44 = arith.constant 16 : index
      %swap3A_45 = tpu.vector_load %arg9[%swap3A_43, %swap3A_44] {strides = array<i32>} : memref<72x256xf32, #tpu.memory_space<vmem>>, vector<1x16xf32>,
      %swap3A_46 = vector.shape_cast %swap3A_45 : vector<1x16xf32> to vector<16xf32>
      %swap3A_47 = vector.shape_cast %sub3A_42 : vector<16xf32> to vector<1x16xf32>
      tpu.vector_store %arg9[%swap3A_43, %swap3A_44], %swap3A_47 {strides = array<i32>} : memref<72x256xf32, #tpu.memory_space<vmem>>, vector<1x16xf32>,
      %get3A_48 = arith.index_cast %scan3A_12 : i32 to index
      %get3A_49 = arith.constant 32 : index
      %get3A_50 = tpu.vector_load %arg10[%get3A_48, %get3A_49] {strides = array<i32>} : memref<72x256xf32, #tpu.memory_space<vmem>>, vector<1x16xf32>,
      %get3A_51 = vector.shape_cast %get3A_50 : vector<1x16xf32> to vector<16xf32>
      %get3A_52 = arith.index_cast %scan3A_12 : i32 to index
      %get3A_53 = arith.constant 32 : index
      %get3A_54 = tpu.vector_load %arg9[%get3A_52, %get3A_53] {strides = array<i32>} : memref<72x256xf32, #tpu.memory_space<vmem>>, vector<1x16xf32>,
      %get3A_55 = vector.shape_cast %get3A_54 : vector<1x16xf32> to vector<16xf32>
      %get3A_56 = arith.index_cast %scan3A_12 : i32 to index
      %get3A_57 = arith.constant 32 : index
      %get3A_58 = tpu.vector_load %arg8[%get3A_56, %get3A_57] {strides = array<i32>} : memref<72x256xf32, #tpu.memory_space<vmem>>, vector<1x16xf32>,
      %get3A_59 = vector.shape_cast %get3A_58 : vector<1x16xf32> to vector<16xf32>
      %sub3A_60 = arith.subf %get3A_55, %get3A_59 : vector<16xf32>
      %sub3A_61 = arith.subf %get3A_51, %sub3A_60 : vector<16xf32>
      %swap3A_62 = arith.index_cast %scan3A_12 : i32 to index
      %swap3A_63 = arith.constant 32 : index
      %swap3A_64 = tpu.vector_load %arg9[%swap3A_62, %swap3A_63] {strides = array<i32>} : memref<72x256xf32, #tpu.memory_space<vmem>>, vector<1x16xf32>,
      %swap3A_65 = vector.shape_cast %swap3A_64 : vector<1x16xf32> to vector<16xf32>
      %swap3A_66 = vector.shape_cast %sub3A_61 : vector<16xf32> to vector<1x16xf32>
      tpu.vector_store %arg9[%swap3A_62, %swap3A_63], %swap3A_66 {strides = array<i32>} : memref<72x256xf32, #tpu.memory_space<vmem>>, vector<1x16xf32>,
      %get3A_67 = arith.index_cast %scan3A_12 : i32 to index
      %get3A_68 = arith.constant 48 : index
      %get3A_69 = tpu.vector_load %arg10[%get3A_67, %get3A_68] {strides = array<i32>} : memref<72x256xf32, #tpu.memory_space<vmem>>, vector<1x16xf32>,
      %get3A_70 = vector.shape_cast %get3A_69 : vector<1x16xf32> to vector<16xf32>
      %get3A_71 = arith.index_cast %scan3A_12 : i32 to index
      %get3A_72 = arith.constant 48 : index
      %get3A_73 = tpu.vector_load %arg9[%get3A_71, %get3A_72] {strides = array<i32>} : memref<72x256xf32, #tpu.memory_space<vmem>>, vector<1x16xf32>,
      %get3A_74 = vector.shape_cast %get3A_73 : vector<1x16xf32> to vector<16xf32>
      %get3A_75 = arith.index_cast %scan3A_12 : i32 to index
      %get3A_76 = arith.constant 48 : index
      %get3A_77 = tpu.vector_load %arg8[%get3A_75, %get3A_76] {strides = array<i32>} : memref<72x256xf32, #tpu.memory_space<vmem>>, vector<1x16xf32>,
      %get3A_78 = vector.shape_cast %get3A_77 : vector<1x16xf32> to vector<16xf32>
      %sub3A_79 = arith.subf %get3A_74, %get3A_78 : vector<16xf32>
      %sub3A_80 = arith.subf %get3A_70, %sub3A_79 : vector<16xf32>
      %swap3A_81 = arith.index_cast %scan3A_12 : i32 to index
      %swap3A_82 = arith.constant 48 : index
      %swap3A_83 = tpu.vector_load %arg9[%swap3A_81, %swap3A_82] {strides = array<i32>} : memref<72x256xf32, #tpu.memory_space<vmem>>, vector<1x16xf32>,
      %swap3A_84 = vector.shape_cast %swap3A_83 : vector<1x16xf32> to vector<16xf32>
      %swap3A_85 = vector.shape_cast %sub3A_80 : vector<16xf32> to vector<1x16xf32>
      tpu.vector_store %arg9[%swap3A_81, %swap3A_82], %swap3A_85 {strides = array<i32>} : memref<72x256xf32, #tpu.memory_space<vmem>>, vector<1x16xf32>,
      %get3A_86 = arith.index_cast %scan3A_12 : i32 to index
      %get3A_87 = arith.constant 64 : index
      %get3A_88 = tpu.vector_load %arg10[%get3A_86, %get3A_87] {strides = array<i32>} : memref<72x256xf32, #tpu.memory_space<vmem>>, vector<1x16xf32>,
      %get3A_89 = vector.shape_cast %get3A_88 : vector<1x16xf32> to vector<16xf32>
      %get3A_90 = arith.index_cast %scan3A_12 : i32 to index
      %get3A_91 = arith.constant 64 : index
      %get3A_92 = tpu.vector_load %arg9[%get3A_90, %get3A_91] {strides = array<i32>} : memref<72x256xf32, #tpu.memory_space<vmem>>, vector<1x16xf32>,
      %get3A_93 = vector.shape_cast %get3A_92 : vector<1x16xf32> to vector<16xf32>
      %get3A_94 = arith.index_cast %scan3A_12 : i32 to index
      %get3A_95 = arith.constant 64 : index
      %get3A_96 = tpu.vector_load %arg8[%get3A_94, %get3A_95] {strides = array<i32>} : memref<72x256xf32, #tpu.memory_space<vmem>>, vector<1x16xf32>,
      %get3A_97 = vector.shape_cast %get3A_96 : vector<1x16xf32> to vector<16xf32>
      %sub3A_98 = arith.subf %get3A_93, %get3A_97 : vector<16xf32>
      %sub3A_99 = arith.subf %get3A_89, %sub3A_98 : vector<16xf32>
      %swap3A_100 = arith.index_cast %scan3A_12 : i32 to index
      %swap3A_101 = arith.constant 64 : index
      %swap3A_102 = tpu.vector_load %arg9[%swap3A_100, %swap3A_101] {strides = array<i32>} : memref<72x256xf32, #tpu.memory_space<vmem>>, vector<1x16xf32>,
      %swap3A_103 = vector.shape_cast %swap3A_102 : vector<1x16xf32> to vector<16xf32>
      %swap3A_104 = vector.shape_cast %sub3A_99 : vector<16xf32> to vector<1x16xf32>
      tpu.vector_store %arg9[%swap3A_100, %swap3A_101], %swap3A_104 {strides = array<i32>} : memref<72x256xf32, #tpu.memory_space<vmem>>, vector<1x16xf32>,
      %get3A_105 = arith.index_cast %scan3A_12 : i32 to index
      %get3A_106 = arith.constant 80 : index
      %get3A_107 = tpu.vector_load %arg10[%get3A_105, %get3A_106] {strides = array<i32>} : memref<72x256xf32, #tpu.memory_space<vmem>>, vector<1x16xf32>,
      %get3A_108 = vector.shape_cast %get3A_107 : vector<1x16xf32> to vector<16xf32>
      %get3A_109 = arith.index_cast %scan3A_12 : i32 to index
      %get3A_110 = arith.constant 80 : index
      %get3A_111 = tpu.vector_load %arg9[%get3A_109, %get3A_110] {strides = array<i32>} : memref<72x256xf32, #tpu.memory_space<vmem>>, vector<1x16xf32>,
      %get3A_112 = vector.shape_cast %get3A_111 : vector<1x16xf32> to vector<16xf32>
      %get3A_113 = arith.index_cast %scan3A_12 : i32 to index
      %get3A_114 = arith.constant 80 : index
      %get3A_115 = tpu.vector_load %arg8[%get3A_113, %get3A_114] {strides = array<i32>} : memref<72x256xf32, #tpu.memory_space<vmem>>, vector<1x16xf32>,
      %get3A_116 = vector.shape_cast %get3A_115 : vector<1x16xf32> to vector<16xf32>
      %sub3A_117 = arith.subf %get3A_112, %get3A_116 : vector<16xf32>
      %sub3A_118 = arith.subf %get3A_108, %sub3A_117 : vector<16xf32>
      %swap3A_119 = arith.index_cast %scan3A_12 : i32 to index
      %swap3A_120 = arith.constant 80 : index
      %swap3A_121 = tpu.vector_load %arg9[%swap3A_119, %swap3A_120] {strides = array<i32>} : memref<72x256xf32, #tpu.memory_space<vmem>>, vector<1x16xf32>,
      %swap3A_122 = vector.shape_cast %swap3A_121 : vector<1x16xf32> to vector<16xf32>
      %swap3A_123 = vector.shape_cast %sub3A_118 : vector<16xf32> to vector<1x16xf32>
      tpu.vector_store %arg9[%swap3A_119, %swap3A_120], %swap3A_123 {strides = array<i32>} : memref<72x256xf32, #tpu.memory_space<vmem>>, vector<1x16xf32>,
      %get3A_124 = arith.index_cast %scan3A_12 : i32 to index
      %get3A_125 = arith.constant 96 : index
      %get3A_126 = tpu.vector_load %arg10[%get3A_124, %get3A_125] {strides = array<i32>} : memref<72x256xf32, #tpu.memory_space<vmem>>, vector<1x16xf32>,
      %get3A_127 = vector.shape_cast %get3A_126 : vector<1x16xf32> to vector<16xf32>
      %get3A_128 = arith.index_cast %scan3A_12 : i32 to index
      %get3A_129 = arith.constant 96 : index
      %get3A_130 = tpu.vector_load %arg9[%get3A_128, %get3A_129] {strides = array<i32>} : memref<72x256xf32, #tpu.memory_space<vmem>>, vector<1x16xf32>,
      %get3A_131 = vector.shape_cast %get3A_130 : vector<1x16xf32> to vector<16xf32>
      %get3A_132 = arith.index_cast %scan3A_12 : i32 to index
      %get3A_133 = arith.constant 96 : index
      %get3A_134 = tpu.vector_load %arg8[%get3A_132, %get3A_133] {strides = array<i32>} : memref<72x256xf32, #tpu.memory_space<vmem>>, vector<1x16xf32>,
      %get3A_135 = vector.shape_cast %get3A_134 : vector<1x16xf32> to vector<16xf32>
      %sub3A_136 = arith.subf %get3A_131, %get3A_135 : vector<16xf32>
      %sub3A_137 = arith.subf %get3A_127, %sub3A_136 : vector<16xf32>
      %swap3A_138 = arith.index_cast %scan3A_12 : i32 to index
      %swap3A_139 = arith.constant 96 : index
      %swap3A_140 = tpu.vector_load %arg9[%swap3A_138, %swap3A_139] {strides = array<i32>} : memref<72x256xf32, #tpu.memory_space<vmem>>, vector<1x16xf32>,
      %swap3A_141 = vector.shape_cast %swap3A_140 : vector<1x16xf32> to vector<16xf32>
      %swap3A_142 = vector.shape_cast %sub3A_137 : vector<16xf32> to vector<1x16xf32>
      tpu.vector_store %arg9[%swap3A_138, %swap3A_139], %swap3A_142 {strides = array<i32>} : memref<72x256xf32, #tpu.memory_space<vmem>>, vector<1x16xf32>,
      %get3A_143 = arith.index_cast %scan3A_12 : i32 to index
      %get3A_144 = arith.constant 112 : index
      %get3A_145 = tpu.vector_load %arg10[%get3A_143, %get3A_144] {strides = array<i32>} : memref<72x256xf32, #tpu.memory_space<vmem>>, vector<1x16xf32>,
      %get3A_146 = vector.shape_cast %get3A_145 : vector<1x16xf32> to vector<16xf32>
      %get3A_147 = arith.index_cast %scan3A_12 : i32 to index
      %get3A_148 = arith.constant 112 : index
      %get3A_149 = tpu.vector_load %arg9[%get3A_147, %get3A_148] {strides = array<i32>} : memref<72x256xf32, #tpu.memory_space<vmem>>, vector<1x16xf32>,
      %get3A_150 = vector.shape_cast %get3A_149 : vector<1x16xf32> to vector<16xf32>
      %get3A_151 = arith.index_cast %scan3A_12 : i32 to index
      %get3A_152 = arith.constant 112 : index
      %get3A_153 = tpu.vector_load %arg8[%get3A_151, %get3A_152] {strides = array<i32>} : memref<72x256xf32, #tpu.memory_space<vmem>>, vector<1x16xf32>,
      %get3A_154 = vector.shape_cast %get3A_153 : vector<1x16xf32> to vector<16xf32>
      %sub3A_155 = arith.subf %get3A_150, %get3A_154 : vector<16xf32>
      %sub3A_156 = arith.subf %get3A_146, %sub3A_155 : vector<16xf32>
      %swap3A_157 = arith.index_cast %scan3A_12 : i32 to index
      %swap3A_158 = arith.constant 112 : index
      %swap3A_159 = tpu.vector_load %arg9[%swap3A_157, %swap3A_158] {strides = array<i32>} : memref<72x256xf32, #tpu.memory_space<vmem>>, vector<1x16xf32>,
      %swap3A_160 = vector.shape_cast %swap3A_159 : vector<1x16xf32> to vector<16xf32>
      %swap3A_161 = vector.shape_cast %sub3A_156 : vector<16xf32> to vector<1x16xf32>
      tpu.vector_store %arg9[%swap3A_157, %swap3A_158], %swap3A_161 {strides = array<i32>} : memref<72x256xf32, #tpu.memory_space<vmem>>, vector<1x16xf32>,
      %get3A_162 = arith.index_cast %scan3A_12 : i32 to index
      %get3A_163 = arith.constant 128 : index
      %get3A_164 = tpu.vector_load %arg10[%get3A_162, %get3A_163] {strides = array<i32>} : memref<72x256xf32, #tpu.memory_space<vmem>>, vector<1x16xf32>,
      %get3A_165 = vector.shape_cast %get3A_164 : vector<1x16xf32> to vector<16xf32>
      %get3A_166 = arith.index_cast %scan3A_12 : i32 to index
      %get3A_167 = arith.constant 128 : index
      %get3A_168 = tpu.vector_load %arg9[%get3A_166, %get3A_167] {strides = array<i32>} : memref<72x256xf32, #tpu.memory_space<vmem>>, vector<1x16xf32>,
      %get3A_169 = vector.shape_cast %get3A_168 : vector<1x16xf32> to vector<16xf32>
      %get3A_170 = arith.index_cast %scan3A_12 : i32 to index
      %get3A_171 = arith.constant 128 : index
      %get3A_172 = tpu.vector_load %arg8[%get3A_170, %get3A_171] {strides = array<i32>} : memref<72x256xf32, #tpu.memory_space<vmem>>, vector<1x16xf32>,
      %get3A_173 = vector.shape_cast %get3A_172 : vector<1x16xf32> to vector<16xf32>
      %sub3A_174 = arith.subf %get3A_169, %get3A_173 : vector<16xf32>
      %sub3A_175 = arith.subf %get3A_165, %sub3A_174 : vector<16xf32>
      %swap3A_176 = arith.index_cast %scan3A_12 : i32 to index
      %swap3A_177 = arith.constant 128 : index
      %swap3A_178 = tpu.vector_load %arg9[%swap3A_176, %swap3A_177] {strides = array<i32>} : memref<72x256xf32, #tpu.memory_space<vmem>>, vector<1x16xf32>,
      %swap3A_179 = vector.shape_cast %swap3A_178 : vector<1x16xf32> to vector<16xf32>
      %swap3A_180 = vector.shape_cast %sub3A_175 : vector<16xf32> to vector<1x16xf32>
      tpu.vector_store %arg9[%swap3A_176, %swap3A_177], %swap3A_180 {strides = array<i32>} : memref<72x256xf32, #tpu.memory_space<vmem>>, vector<1x16xf32>,
      %get3A_181 = arith.index_cast %scan3A_12 : i32 to index
      %get3A_182 = arith.constant 144 : index
      %get3A_183 = tpu.vector_load %arg10[%get3A_181, %get3A_182] {strides = array<i32>} : memref<72x256xf32, #tpu.memory_space<vmem>>, vector<1x16xf32>,
      %get3A_184 = vector.shape_cast %get3A_183 : vector<1x16xf32> to vector<16xf32>
      %get3A_185 = arith.index_cast %scan3A_12 : i32 to index
      %get3A_186 = arith.constant 144 : index
      %get3A_187 = tpu.vector_load %arg9[%get3A_185, %get3A_186] {strides = array<i32>} : memref<72x256xf32, #tpu.memory_space<vmem>>, vector<1x16xf32>,
      %get3A_188 = vector.shape_cast %get3A_187 : vector<1x16xf32> to vector<16xf32>
      %get3A_189 = arith.index_cast %scan3A_12 : i32 to index
      %get3A_190 = arith.constant 144 : index
      %get3A_191 = tpu.vector_load %arg8[%get3A_189, %get3A_190] {strides = array<i32>} : memref<72x256xf32, #tpu.memory_space<vmem>>, vector<1x16xf32>,
      %get3A_192 = vector.shape_cast %get3A_191 : vector<1x16xf32> to vector<16xf32>
      %sub3A_193 = arith.subf %get3A_188, %get3A_192 : vector<16xf32>
      %sub3A_194 = arith.subf %get3A_184, %sub3A_193 : vector<16xf32>
      %swap3A_195 = arith.index_cast %scan3A_12 : i32 to index
      %swap3A_196 = arith.constant 144 : index
      %swap3A_197 = tpu.vector_load %arg9[%swap3A_195, %swap3A_196] {strides = array<i32>} : memref<72x256xf32, #tpu.memory_space<vmem>>, vector<1x16xf32>,
      %swap3A_198 = vector.shape_cast %swap3A_197 : vector<1x16xf32> to vector<16xf32>
      %swap3A_199 = vector.shape_cast %sub3A_194 : vector<16xf32> to vector<1x16xf32>
      tpu.vector_store %arg9[%swap3A_195, %swap3A_196], %swap3A_199 {strides = array<i32>} : memref<72x256xf32, #tpu.memory_space<vmem>>, vector<1x16xf32>,
      %get3A_200 = arith.index_cast %scan3A_12 : i32 to index
      %get3A_201 = arith.constant 160 : index
      %get3A_202 = tpu.vector_load %arg10[%get3A_200, %get3A_201] {strides = array<i32>} : memref<72x256xf32, #tpu.memory_space<vmem>>, vector<1x16xf32>,
      %get3A_203 = vector.shape_cast %get3A_202 : vector<1x16xf32> to vector<16xf32>
      %get3A_204 = arith.index_cast %scan3A_12 : i32 to index
      %get3A_205 = arith.constant 160 : index
      %get3A_206 = tpu.vector_load %arg9[%get3A_204, %get3A_205] {strides = array<i32>} : memref<72x256xf32, #tpu.memory_space<vmem>>, vector<1x16xf32>,
      %get3A_207 = vector.shape_cast %get3A_206 : vector<1x16xf32> to vector<16xf32>
      %get3A_208 = arith.index_cast %scan3A_12 : i32 to index
      %get3A_209 = arith.constant 160 : index
      %get3A_210 = tpu.vector_load %arg8[%get3A_208, %get3A_209] {strides = array<i32>} : memref<72x256xf32, #tpu.memory_space<vmem>>, vector<1x16xf32>,
      %get3A_211 = vector.shape_cast %get3A_210 : vector<1x16xf32> to vector<16xf32>
      %sub3A_212 = arith.subf %get3A_207, %get3A_211 : vector<16xf32>
      %sub3A_213 = arith.subf %get3A_203, %sub3A_212 : vector<16xf32>
      %swap3A_214 = arith.index_cast %scan3A_12 : i32 to index
      %swap3A_215 = arith.constant 160 : index
      %swap3A_216 = tpu.vector_load %arg9[%swap3A_214, %swap3A_215] {strides = array<i32>} : memref<72x256xf32, #tpu.memory_space<vmem>>, vector<1x16xf32>,
      %swap3A_217 = vector.shape_cast %swap3A_216 : vector<1x16xf32> to vector<16xf32>
      %swap3A_218 = vector.shape_cast %sub3A_213 : vector<16xf32> to vector<1x16xf32>
      tpu.vector_store %arg9[%swap3A_214, %swap3A_215], %swap3A_218 {strides = array<i32>} : memref<72x256xf32, #tpu.memory_space<vmem>>, vector<1x16xf32>,
      %get3A_219 = arith.index_cast %scan3A_12 : i32 to index
      %get3A_220 = arith.constant 176 : index
      %get3A_221 = tpu.vector_load %arg10[%get3A_219, %get3A_220] {strides = array<i32>} : memref<72x256xf32, #tpu.memory_space<vmem>>, vector<1x16xf32>,
      %get3A_222 = vector.shape_cast %get3A_221 : vector<1x16xf32> to vector<16xf32>
      %get3A_223 = arith.index_cast %scan3A_12 : i32 to index
      %get3A_224 = arith.constant 176 : index
      %get3A_225 = tpu.vector_load %arg9[%get3A_223, %get3A_224] {strides = array<i32>} : memref<72x256xf32, #tpu.memory_space<vmem>>, vector<1x16xf32>,
      %get3A_226 = vector.shape_cast %get3A_225 : vector<1x16xf32> to vector<16xf32>
      %get3A_227 = arith.index_cast %scan3A_12 : i32 to index
      %get3A_228 = arith.constant 176 : index
      %get3A_229 = tpu.vector_load %arg8[%get3A_227, %get3A_228] {strides = array<i32>} : memref<72x256xf32, #tpu.memory_space<vmem>>, vector<1x16xf32>,
      %get3A_230 = vector.shape_cast %get3A_229 : vector<1x16xf32> to vector<16xf32>
      %sub3A_231 = arith.subf %get3A_226, %get3A_230 : vector<16xf32>
      %sub3A_232 = arith.subf %get3A_222, %sub3A_231 : vector<16xf32>
      %swap3A_233 = arith.index_cast %scan3A_12 : i32 to index
      %swap3A_234 = arith.constant 176 : index
      %swap3A_235 = tpu.vector_load %arg9[%swap3A_233, %swap3A_234] {strides = array<i32>} : memref<72x256xf32, #tpu.memory_space<vmem>>, vector<1x16xf32>,
      %swap3A_236 = vector.shape_cast %swap3A_235 : vector<1x16xf32> to vector<16xf32>
      %swap3A_237 = vector.shape_cast %sub3A_232 : vector<16xf32> to vector<1x16xf32>
      tpu.vector_store %arg9[%swap3A_233, %swap3A_234], %swap3A_237 {strides = array<i32>} : memref<72x256xf32, #tpu.memory_space<vmem>>, vector<1x16xf32>,
      %get3A_238 = arith.index_cast %scan3A_12 : i32 to index
      %get3A_239 = arith.constant 192 : index
      %get3A_240 = tpu.vector_load %arg10[%get3A_238, %get3A_239] {strides = array<i32>} : memref<72x256xf32, #tpu.memory_space<vmem>>, vector<1x16xf32>,
      %get3A_241 = vector.shape_cast %get3A_240 : vector<1x16xf32> to vector<16xf32>
      %get3A_242 = arith.index_cast %scan3A_12 : i32 to index
      %get3A_243 = arith.constant 192 : index
      %get3A_244 = tpu.vector_load %arg9[%get3A_242, %get3A_243] {strides = array<i32>} : memref<72x256xf32, #tpu.memory_space<vmem>>, vector<1x16xf32>,
      %get3A_245 = vector.shape_cast %get3A_244 : vector<1x16xf32> to vector<16xf32>
      %get3A_246 = arith.index_cast %scan3A_12 : i32 to index
      %get3A_247 = arith.constant 192 : index
      %get3A_248 = tpu.vector_load %arg8[%get3A_246, %get3A_247] {strides = array<i32>} : memref<72x256xf32, #tpu.memory_space<vmem>>, vector<1x16xf32>,
      %get3A_249 = vector.shape_cast %get3A_248 : vector<1x16xf32> to vector<16xf32>
      %sub3A_250 = arith.subf %get3A_245, %get3A_249 : vector<16xf32>
      %sub3A_251 = arith.subf %get3A_241, %sub3A_250 : vector<16xf32>
      %swap3A_252 = arith.index_cast %scan3A_12 : i32 to index
      %swap3A_253 = arith.constant 192 : index
      %swap3A_254 = tpu.vector_load %arg9[%swap3A_252, %swap3A_253] {strides = array<i32>} : memref<72x256xf32, #tpu.memory_space<vmem>>, vector<1x16xf32>,
      %swap3A_255 = vector.shape_cast %swap3A_254 : vector<1x16xf32> to vector<16xf32>
      %swap3A_256 = vector.shape_cast %sub3A_251 : vector<16xf32> to vector<1x16xf32>
      tpu.vector_store %arg9[%swap3A_252, %swap3A_253], %swap3A_256 {strides = array<i32>} : memref<72x256xf32, #tpu.memory_space<vmem>>, vector<1x16xf32>,
      %get3A_257 = arith.index_cast %scan3A_12 : i32 to index
      %get3A_258 = arith.constant 208 : index
      %get3A_259 = tpu.vector_load %arg10[%get3A_257, %get3A_258] {strides = array<i32>} : memref<72x256xf32, #tpu.memory_space<vmem>>, vector<1x16xf32>,
      %get3A_260 = vector.shape_cast %get3A_259 : vector<1x16xf32> to vector<16xf32>
      %get3A_261 = arith.index_cast %scan3A_12 : i32 to index
      %get3A_262 = arith.constant 208 : index
      %get3A_263 = tpu.vector_load %arg9[%get3A_261, %get3A_262] {strides = array<i32>} : memref<72x256xf32, #tpu.memory_space<vmem>>, vector<1x16xf32>,
      %get3A_264 = vector.shape_cast %get3A_263 : vector<1x16xf32> to vector<16xf32>
      %get3A_265 = arith.index_cast %scan3A_12 : i32 to index
      %get3A_266 = arith.constant 208 : index
      %get3A_267 = tpu.vector_load %arg8[%get3A_265, %get3A_266] {strides = array<i32>} : memref<72x256xf32, #tpu.memory_space<vmem>>, vector<1x16xf32>,
      %get3A_268 = vector.shape_cast %get3A_267 : vector<1x16xf32> to vector<16xf32>
      %sub3A_269 = arith.subf %get3A_264, %get3A_268 : vector<16xf32>
      %sub3A_270 = arith.subf %get3A_260, %sub3A_269 : vector<16xf32>
      %swap3A_271 = arith.index_cast %scan3A_12 : i32 to index
      %swap3A_272 = arith.constant 208 : index
      %swap3A_273 = tpu.vector_load %arg9[%swap3A_271, %swap3A_272] {strides = array<i32>} : memref<72x256xf32, #tpu.memory_space<vmem>>, vector<1x16xf32>,
      %swap3A_274 = vector.shape_cast %swap3A_273 : vector<1x16xf32> to vector<16xf32>
      %swap3A_275 = vector.shape_cast %sub3A_270 : vector<16xf32> to vector<1x16xf32>
      tpu.vector_store %arg9[%swap3A_271, %swap3A_272], %swap3A_275 {strides = array<i32>} : memref<72x256xf32, #tpu.memory_space<vmem>>, vector<1x16xf32>,
      %get3A_276 = arith.index_cast %scan3A_12 : i32 to index
      %get3A_277 = arith.constant 224 : index
      %get3A_278 = tpu.vector_load %arg10[%get3A_276, %get3A_277] {strides = array<i32>} : memref<72x256xf32, #tpu.memory_space<vmem>>, vector<1x16xf32>,
      %get3A_279 = vector.shape_cast %get3A_278 : vector<1x16xf32> to vector<16xf32>
      %get3A_280 = arith.index_cast %scan3A_12 : i32 to index
      %get3A_281 = arith.constant 224 : index
      %get3A_282 = tpu.vector_load %arg9[%get3A_280, %get3A_281] {strides = array<i32>} : memref<72x256xf32, #tpu.memory_space<vmem>>, vector<1x16xf32>,
      %get3A_283 = vector.shape_cast %get3A_282 : vector<1x16xf32> to vector<16xf32>
      %get3A_284 = arith.index_cast %scan3A_12 : i32 to index
      %get3A_285 = arith.constant 224 : index
      %get3A_286 = tpu.vector_load %arg8[%get3A_284, %get3A_285] {strides = array<i32>} : memref<72x256xf32, #tpu.memory_space<vmem>>, vector<1x16xf32>,
      %get3A_287 = vector.shape_cast %get3A_286 : vector<1x16xf32> to vector<16xf32>
      %sub3A_288 = arith.subf %get3A_283, %get3A_287 : vector<16xf32>
      %sub3A_289 = arith.subf %get3A_279, %sub3A_288 : vector<16xf32>
      %swap3A_290 = arith.index_cast %scan3A_12 : i32 to index
      %swap3A_291 = arith.constant 224 : index
      %swap3A_292 = tpu.vector_load %arg9[%swap3A_290, %swap3A_291] {strides = array<i32>} : memref<72x256xf32, #tpu.memory_space<vmem>>, vector<1x16xf32>,
      %swap3A_293 = vector.shape_cast %swap3A_292 : vector<1x16xf32> to vector<16xf32>
      %swap3A_294 = vector.shape_cast %sub3A_289 : vector<16xf32> to vector<1x16xf32>
      tpu.vector_store %arg9[%swap3A_290, %swap3A_291], %swap3A_294 {strides = array<i32>} : memref<72x256xf32, #tpu.memory_space<vmem>>, vector<1x16xf32>,
      %get3A_295 = arith.index_cast %scan3A_12 : i32 to index
      %get3A_296 = arith.constant 240 : index
      %get3A_297 = tpu.vector_load %arg10[%get3A_295, %get3A_296] {strides = array<i32>} : memref<72x256xf32, #tpu.memory_space<vmem>>, vector<1x16xf32>,
      %get3A_298 = vector.shape_cast %get3A_297 : vector<1x16xf32> to vector<16xf32>
      %get3A_299 = arith.index_cast %scan3A_12 : i32 to index
      %get3A_300 = arith.constant 240 : index
      %get3A_301 = tpu.vector_load %arg9[%get3A_299, %get3A_300] {strides = array<i32>} : memref<72x256xf32, #tpu.memory_space<vmem>>, vector<1x16xf32>,
      %get3A_302 = vector.shape_cast %get3A_301 : vector<1x16xf32> to vector<16xf32>
      %get3A_303 = arith.index_cast %scan3A_12 : i32 to index
      %get3A_304 = arith.constant 240 : index
      %get3A_305 = tpu.vector_load %arg8[%get3A_303, %get3A_304] {strides = array<i32>} : memref<72x256xf32, #tpu.memory_space<vmem>>, vector<1x16xf32>,
      %get3A_306 = vector.shape_cast %get3A_305 : vector<1x16xf32> to vector<16xf32>
      %sub3A_307 = arith.subf %get3A_302, %get3A_306 : vector<16xf32>
      %sub3A_308 = arith.subf %get3A_298, %sub3A_307 : vector<16xf32>
      %swap3A_309 = arith.index_cast %scan3A_12 : i32 to index
      %swap3A_310 = arith.constant 240 : index
      %swap3A_311 = tpu.vector_load %arg9[%swap3A_309, %swap3A_310] {strides = array<i32>} : memref<72x256xf32, #tpu.memory_space<vmem>>, vector<1x16xf32>,
      %swap3A_312 = vector.shape_cast %swap3A_311 : vector<1x16xf32> to vector<16xf32>
      %swap3A_313 = vector.shape_cast %sub3A_308 : vector<16xf32> to vector<1x16xf32>
      tpu.vector_store %arg9[%swap3A_309, %swap3A_310], %swap3A_313 {strides = array<i32>} : memref<72x256xf32, #tpu.memory_space<vmem>>, vector<1x16xf32>,
    }
    %scan3A_11 = arith.constant 72 : i32
    "tpu.region"() ({
      %run_scoped3A = tpu.sem_alloc : memref<!tpu.dma_semaphore, #tpu.memory_space<semaphore_mem>>
      %dma_start3A_12 = arith.constant 0 : i32
      %dma_start3A_13 = tpu.memref_slice %arg6[%mul3A_2, %dma_start3A_12] : memref<2304x256xf32, #tpu.memory_space<hbm>> -> memref<72x256xf32, #tpu.memory_space<hbm>>
      %dma_start3A_14 = arith.constant 0 : i32
      %dma_start3A_15 = tpu.memref_slice %arg6[%mul3A_2, %dma_start3A_14] : memref<2304x256xf32, #tpu.memory_space<hbm>> -> memref<72x256xf32, #tpu.memory_space<hbm>>
      tpu.enqueue_dma source(%arg9 : memref<72x256xf32, #tpu.memory_space<vmem>>) target(%dma_start3A_15 : memref<72x256xf32, #tpu.memory_space<hbm>>) target_semaphore(%run_scoped3A : memref<!tpu.dma_semaphore, #tpu.memory_space<semaphore_mem>>)
      %dma_wait3A_16 = arith.constant 0 : i32
      %dma_wait3A_17 = tpu.memref_slice %arg6[%mul3A_2, %dma_wait3A_16] : memref<2304x256xf32, #tpu.memory_space<hbm>> -> memref<72x256xf32, #tpu.memory_space<hbm>>
      %dma_wait3A_18 = arith.constant 0 : i32
      %dma_wait3A_19 = tpu.memref_slice %arg6[%mul3A_2, %dma_wait3A_18] : memref<2304x256xf32, #tpu.memory_space<hbm>> -> memref<72x256xf32, #tpu.memory_space<hbm>>
      tpu.wait_dma2 semaphore(%run_scoped3A : memref<!tpu.dma_semaphore, #tpu.memory_space<semaphore_mem>>) src(%arg9 : memref<72x256xf32, #tpu.memory_space<vmem>>) dst(%dma_wait3A_19 : memref<72x256xf32, #tpu.memory_space<hbm>>)
      tpu.yield
    }) : () -> ()
    return
  }
}

#map = affine_map<(d0, d1) -> (0, 0)>
#map1 = affine_map<(d0, d1) -> (0)>
module attributes {stable_mosaic.version = 14 : i64} {
  func.func @_sc_sub_body(%arg0: i32, %arg1: i32, %arg2: memref<8192x256xf32, #tpu.memory_space<hbm>>, %arg3: memref<2304xi32, #tpu.memory_space<hbm>>, %arg4: memref<2304x256xf32, #tpu.memory_space<hbm>>, %arg5: memref<2304x256xf32, #tpu.memory_space<hbm>>, %arg6: memref<72xi32, #tpu.memory_space<vmem>>, %arg7: memref<72x256xf32, #tpu.memory_space<vmem>>, %arg8: memref<72x256xf32, #tpu.memory_space<vmem>>, %arg9: memref<!tpu.dma_semaphore, #tpu.memory_space<semaphore_mem>>) attributes {dimension_semantics = [#tpu.dimension_semantics<core_parallel>, #tpu.dimension_semantics<subcore_parallel>], iteration_bounds = array<i64: 2, 16>, scalar_prefetch = 0 : i64, scratch_operands = 4 : i64, tpu.core_type = #tpu.core_type<sc_vector_subcore>, window_params = [{transform_indices = #map}, {transform_indices = #map1}, {transform_indices = #map}, {transform_indices = #map}]} {
    %mul3A = arith.constant 2 : i32
    %mul3A_0 = arith.muli %arg1, %mul3A : i32
    %add3A = arith.addi %mul3A_0, %arg0 : i32
    %mul3A_1 = arith.constant 72 : i32
    %mul3A_2 = arith.muli %add3A, %mul3A_1 : i32
    "tpu.region"() ({
      %run_scoped3A = tpu.sem_alloc : memref<!tpu.dma_semaphore, #tpu.memory_space<semaphore_mem>>
      %dma_start3A_12 = tpu.memref_slice %arg3[%mul3A_2] : memref<2304xi32, #tpu.memory_space<hbm>> -> memref<72xi32, #tpu.memory_space<hbm>>
      %dma_start3A_13 = tpu.memref_slice %arg3[%mul3A_2] : memref<2304xi32, #tpu.memory_space<hbm>> -> memref<72xi32, #tpu.memory_space<hbm>>
      tpu.enqueue_dma source(%dma_start3A_13 : memref<72xi32, #tpu.memory_space<hbm>>) target(%arg6 : memref<72xi32, #tpu.memory_space<vmem>>) target_semaphore(%run_scoped3A : memref<!tpu.dma_semaphore, #tpu.memory_space<semaphore_mem>>)
      %dma_wait3A_14 = tpu.memref_slice %arg3[%mul3A_2] : memref<2304xi32, #tpu.memory_space<hbm>> -> memref<72xi32, #tpu.memory_space<hbm>>
      %dma_wait3A_15 = tpu.memref_slice %arg3[%mul3A_2] : memref<2304xi32, #tpu.memory_space<hbm>> -> memref<72xi32, #tpu.memory_space<hbm>>
      tpu.wait_dma2 semaphore(%run_scoped3A : memref<!tpu.dma_semaphore, #tpu.memory_space<semaphore_mem>>) src(%dma_wait3A_15 : memref<72xi32, #tpu.memory_space<hbm>>) dst(%arg6 : memref<72xi32, #tpu.memory_space<vmem>>)
      tpu.yield
    }) : () -> ()
    %dma_start3A = arith.constant 0 : i32
    %dma_start3A_3 = arith.constant 0 : i32
    %dma_start3A_4 = tpu.memref_slice %arg2[%dma_start3A, %dma_start3A_3] : memref<8192x256xf32, #tpu.memory_space<hbm>> -> memref<8192x256xf32, #tpu.memory_space<hbm>>
    tpu.enqueue_indirect_dma source(%dma_start3A_4 : memref<8192x256xf32, #tpu.memory_space<hbm>>) target(%arg7 : memref<72x256xf32, #tpu.memory_space<vmem>>) offsets(%arg6 : memref<72xi32, #tpu.memory_space<vmem>>) semaphore(%arg9 : memref<!tpu.dma_semaphore, #tpu.memory_space<semaphore_mem>>)
    "tpu.region"() ({
      %run_scoped3A = tpu.sem_alloc : memref<!tpu.dma_semaphore, #tpu.memory_space<semaphore_mem>>
      %dma_start3A_12 = arith.constant 0 : i32
      %dma_start3A_13 = tpu.memref_slice %arg4[%mul3A_2, %dma_start3A_12] : memref<2304x256xf32, #tpu.memory_space<hbm>> -> memref<72x256xf32, #tpu.memory_space<hbm>>
      %dma_start3A_14 = arith.constant 0 : i32
      %dma_start3A_15 = tpu.memref_slice %arg4[%mul3A_2, %dma_start3A_14] : memref<2304x256xf32, #tpu.memory_space<hbm>> -> memref<72x256xf32, #tpu.memory_space<hbm>>
      tpu.enqueue_dma source(%dma_start3A_15 : memref<72x256xf32, #tpu.memory_space<hbm>>) target(%arg8 : memref<72x256xf32, #tpu.memory_space<vmem>>) target_semaphore(%run_scoped3A : memref<!tpu.dma_semaphore, #tpu.memory_space<semaphore_mem>>)
      %dma_wait3A_16 = arith.constant 0 : i32
      %dma_wait3A_17 = tpu.memref_slice %arg4[%mul3A_2, %dma_wait3A_16] : memref<2304x256xf32, #tpu.memory_space<hbm>> -> memref<72x256xf32, #tpu.memory_space<hbm>>
      %dma_wait3A_18 = arith.constant 0 : i32
      %dma_wait3A_19 = tpu.memref_slice %arg4[%mul3A_2, %dma_wait3A_18] : memref<2304x256xf32, #tpu.memory_space<hbm>> -> memref<72x256xf32, #tpu.memory_space<hbm>>
      tpu.wait_dma2 semaphore(%run_scoped3A : memref<!tpu.dma_semaphore, #tpu.memory_space<semaphore_mem>>) src(%dma_wait3A_19 : memref<72x256xf32, #tpu.memory_space<hbm>>) dst(%arg8 : memref<72x256xf32, #tpu.memory_space<vmem>>)
      tpu.yield
    }) : () -> ()
    %dma_wait3A = arith.constant 0 : i32
    %dma_wait3A_5 = arith.constant 0 : i32
    %dma_wait3A_6 = tpu.memref_slice %arg2[%dma_wait3A, %dma_wait3A_5] : memref<8192x256xf32, #tpu.memory_space<hbm>> -> memref<8192x256xf32, #tpu.memory_space<hbm>>
    tpu.wait_indirect_dma semaphore(%arg9 : memref<!tpu.dma_semaphore, #tpu.memory_space<semaphore_mem>>) src(%dma_wait3A_6 : memref<8192x256xf32, #tpu.memory_space<hbm>>) dst(%arg7 : memref<72x256xf32, #tpu.memory_space<vmem>>)
    %scan3A = arith.constant 0 : i32
    %scan3A_7 = arith.constant 0 : i32
    %scan3A_8 = arith.constant 72 : i32
    %scan3A_9 = arith.addi %scan3A_7, %scan3A_8 : i32
    %scan3A_10 = arith.constant 1 : i32
    scf.for %scan3A_12 = %scan3A_7 to %scan3A_9 step %scan3A_10  : i32 {
      %get3A = arith.index_cast %scan3A_12 : i32 to index
      %get3A_13 = arith.constant 0 : index
      %get3A_14 = tpu.vector_load %arg8[%get3A, %get3A_13] {strides = array<i32>} : memref<72x256xf32, #tpu.memory_space<vmem>>, vector<1x16xf32>,
      %get3A_15 = vector.shape_cast %get3A_14 : vector<1x16xf32> to vector<16xf32>
      %get3A_16 = arith.index_cast %scan3A_12 : i32 to index
      %get3A_17 = arith.constant 0 : index
      %get3A_18 = tpu.vector_load %arg7[%get3A_16, %get3A_17] {strides = array<i32>} : memref<72x256xf32, #tpu.memory_space<vmem>>, vector<1x16xf32>,
      %get3A_19 = vector.shape_cast %get3A_18 : vector<1x16xf32> to vector<16xf32>
      %sub3A = arith.subf %get3A_15, %get3A_19 : vector<16xf32>
      %swap3A = arith.index_cast %scan3A_12 : i32 to index
      %swap3A_20 = arith.constant 0 : index
      %swap3A_21 = tpu.vector_load %arg8[%swap3A, %swap3A_20] {strides = array<i32>} : memref<72x256xf32, #tpu.memory_space<vmem>>, vector<1x16xf32>,
      %swap3A_22 = vector.shape_cast %swap3A_21 : vector<1x16xf32> to vector<16xf32>
      %swap3A_23 = vector.shape_cast %sub3A : vector<16xf32> to vector<1x16xf32>
      tpu.vector_store %arg8[%swap3A, %swap3A_20], %swap3A_23 {strides = array<i32>} : memref<72x256xf32, #tpu.memory_space<vmem>>, vector<1x16xf32>,
      %get3A_24 = arith.index_cast %scan3A_12 : i32 to index
      %get3A_25 = arith.constant 16 : index
      %get3A_26 = tpu.vector_load %arg8[%get3A_24, %get3A_25] {strides = array<i32>} : memref<72x256xf32, #tpu.memory_space<vmem>>, vector<1x16xf32>,
      %get3A_27 = vector.shape_cast %get3A_26 : vector<1x16xf32> to vector<16xf32>
      %get3A_28 = arith.index_cast %scan3A_12 : i32 to index
      %get3A_29 = arith.constant 16 : index
      %get3A_30 = tpu.vector_load %arg7[%get3A_28, %get3A_29] {strides = array<i32>} : memref<72x256xf32, #tpu.memory_space<vmem>>, vector<1x16xf32>,
      %get3A_31 = vector.shape_cast %get3A_30 : vector<1x16xf32> to vector<16xf32>
      %sub3A_32 = arith.subf %get3A_27, %get3A_31 : vector<16xf32>
      %swap3A_33 = arith.index_cast %scan3A_12 : i32 to index
      %swap3A_34 = arith.constant 16 : index
      %swap3A_35 = tpu.vector_load %arg8[%swap3A_33, %swap3A_34] {strides = array<i32>} : memref<72x256xf32, #tpu.memory_space<vmem>>, vector<1x16xf32>,
      %swap3A_36 = vector.shape_cast %swap3A_35 : vector<1x16xf32> to vector<16xf32>
      %swap3A_37 = vector.shape_cast %sub3A_32 : vector<16xf32> to vector<1x16xf32>
      tpu.vector_store %arg8[%swap3A_33, %swap3A_34], %swap3A_37 {strides = array<i32>} : memref<72x256xf32, #tpu.memory_space<vmem>>, vector<1x16xf32>,
      %get3A_38 = arith.index_cast %scan3A_12 : i32 to index
      %get3A_39 = arith.constant 32 : index
      %get3A_40 = tpu.vector_load %arg8[%get3A_38, %get3A_39] {strides = array<i32>} : memref<72x256xf32, #tpu.memory_space<vmem>>, vector<1x16xf32>,
      %get3A_41 = vector.shape_cast %get3A_40 : vector<1x16xf32> to vector<16xf32>
      %get3A_42 = arith.index_cast %scan3A_12 : i32 to index
      %get3A_43 = arith.constant 32 : index
      %get3A_44 = tpu.vector_load %arg7[%get3A_42, %get3A_43] {strides = array<i32>} : memref<72x256xf32, #tpu.memory_space<vmem>>, vector<1x16xf32>,
      %get3A_45 = vector.shape_cast %get3A_44 : vector<1x16xf32> to vector<16xf32>
      %sub3A_46 = arith.subf %get3A_41, %get3A_45 : vector<16xf32>
      %swap3A_47 = arith.index_cast %scan3A_12 : i32 to index
      %swap3A_48 = arith.constant 32 : index
      %swap3A_49 = tpu.vector_load %arg8[%swap3A_47, %swap3A_48] {strides = array<i32>} : memref<72x256xf32, #tpu.memory_space<vmem>>, vector<1x16xf32>,
      %swap3A_50 = vector.shape_cast %swap3A_49 : vector<1x16xf32> to vector<16xf32>
      %swap3A_51 = vector.shape_cast %sub3A_46 : vector<16xf32> to vector<1x16xf32>
      tpu.vector_store %arg8[%swap3A_47, %swap3A_48], %swap3A_51 {strides = array<i32>} : memref<72x256xf32, #tpu.memory_space<vmem>>, vector<1x16xf32>,
      %get3A_52 = arith.index_cast %scan3A_12 : i32 to index
      %get3A_53 = arith.constant 48 : index
      %get3A_54 = tpu.vector_load %arg8[%get3A_52, %get3A_53] {strides = array<i32>} : memref<72x256xf32, #tpu.memory_space<vmem>>, vector<1x16xf32>,
      %get3A_55 = vector.shape_cast %get3A_54 : vector<1x16xf32> to vector<16xf32>
      %get3A_56 = arith.index_cast %scan3A_12 : i32 to index
      %get3A_57 = arith.constant 48 : index
      %get3A_58 = tpu.vector_load %arg7[%get3A_56, %get3A_57] {strides = array<i32>} : memref<72x256xf32, #tpu.memory_space<vmem>>, vector<1x16xf32>,
      %get3A_59 = vector.shape_cast %get3A_58 : vector<1x16xf32> to vector<16xf32>
      %sub3A_60 = arith.subf %get3A_55, %get3A_59 : vector<16xf32>
      %swap3A_61 = arith.index_cast %scan3A_12 : i32 to index
      %swap3A_62 = arith.constant 48 : index
      %swap3A_63 = tpu.vector_load %arg8[%swap3A_61, %swap3A_62] {strides = array<i32>} : memref<72x256xf32, #tpu.memory_space<vmem>>, vector<1x16xf32>,
      %swap3A_64 = vector.shape_cast %swap3A_63 : vector<1x16xf32> to vector<16xf32>
      %swap3A_65 = vector.shape_cast %sub3A_60 : vector<16xf32> to vector<1x16xf32>
      tpu.vector_store %arg8[%swap3A_61, %swap3A_62], %swap3A_65 {strides = array<i32>} : memref<72x256xf32, #tpu.memory_space<vmem>>, vector<1x16xf32>,
      %get3A_66 = arith.index_cast %scan3A_12 : i32 to index
      %get3A_67 = arith.constant 64 : index
      %get3A_68 = tpu.vector_load %arg8[%get3A_66, %get3A_67] {strides = array<i32>} : memref<72x256xf32, #tpu.memory_space<vmem>>, vector<1x16xf32>,
      %get3A_69 = vector.shape_cast %get3A_68 : vector<1x16xf32> to vector<16xf32>
      %get3A_70 = arith.index_cast %scan3A_12 : i32 to index
      %get3A_71 = arith.constant 64 : index
      %get3A_72 = tpu.vector_load %arg7[%get3A_70, %get3A_71] {strides = array<i32>} : memref<72x256xf32, #tpu.memory_space<vmem>>, vector<1x16xf32>,
      %get3A_73 = vector.shape_cast %get3A_72 : vector<1x16xf32> to vector<16xf32>
      %sub3A_74 = arith.subf %get3A_69, %get3A_73 : vector<16xf32>
      %swap3A_75 = arith.index_cast %scan3A_12 : i32 to index
      %swap3A_76 = arith.constant 64 : index
      %swap3A_77 = tpu.vector_load %arg8[%swap3A_75, %swap3A_76] {strides = array<i32>} : memref<72x256xf32, #tpu.memory_space<vmem>>, vector<1x16xf32>,
      %swap3A_78 = vector.shape_cast %swap3A_77 : vector<1x16xf32> to vector<16xf32>
      %swap3A_79 = vector.shape_cast %sub3A_74 : vector<16xf32> to vector<1x16xf32>
      tpu.vector_store %arg8[%swap3A_75, %swap3A_76], %swap3A_79 {strides = array<i32>} : memref<72x256xf32, #tpu.memory_space<vmem>>, vector<1x16xf32>,
      %get3A_80 = arith.index_cast %scan3A_12 : i32 to index
      %get3A_81 = arith.constant 80 : index
      %get3A_82 = tpu.vector_load %arg8[%get3A_80, %get3A_81] {strides = array<i32>} : memref<72x256xf32, #tpu.memory_space<vmem>>, vector<1x16xf32>,
      %get3A_83 = vector.shape_cast %get3A_82 : vector<1x16xf32> to vector<16xf32>
      %get3A_84 = arith.index_cast %scan3A_12 : i32 to index
      %get3A_85 = arith.constant 80 : index
      %get3A_86 = tpu.vector_load %arg7[%get3A_84, %get3A_85] {strides = array<i32>} : memref<72x256xf32, #tpu.memory_space<vmem>>, vector<1x16xf32>,
      %get3A_87 = vector.shape_cast %get3A_86 : vector<1x16xf32> to vector<16xf32>
      %sub3A_88 = arith.subf %get3A_83, %get3A_87 : vector<16xf32>
      %swap3A_89 = arith.index_cast %scan3A_12 : i32 to index
      %swap3A_90 = arith.constant 80 : index
      %swap3A_91 = tpu.vector_load %arg8[%swap3A_89, %swap3A_90] {strides = array<i32>} : memref<72x256xf32, #tpu.memory_space<vmem>>, vector<1x16xf32>,
      %swap3A_92 = vector.shape_cast %swap3A_91 : vector<1x16xf32> to vector<16xf32>
      %swap3A_93 = vector.shape_cast %sub3A_88 : vector<16xf32> to vector<1x16xf32>
      tpu.vector_store %arg8[%swap3A_89, %swap3A_90], %swap3A_93 {strides = array<i32>} : memref<72x256xf32, #tpu.memory_space<vmem>>, vector<1x16xf32>,
      %get3A_94 = arith.index_cast %scan3A_12 : i32 to index
      %get3A_95 = arith.constant 96 : index
      %get3A_96 = tpu.vector_load %arg8[%get3A_94, %get3A_95] {strides = array<i32>} : memref<72x256xf32, #tpu.memory_space<vmem>>, vector<1x16xf32>,
      %get3A_97 = vector.shape_cast %get3A_96 : vector<1x16xf32> to vector<16xf32>
      %get3A_98 = arith.index_cast %scan3A_12 : i32 to index
      %get3A_99 = arith.constant 96 : index
      %get3A_100 = tpu.vector_load %arg7[%get3A_98, %get3A_99] {strides = array<i32>} : memref<72x256xf32, #tpu.memory_space<vmem>>, vector<1x16xf32>,
      %get3A_101 = vector.shape_cast %get3A_100 : vector<1x16xf32> to vector<16xf32>
      %sub3A_102 = arith.subf %get3A_97, %get3A_101 : vector<16xf32>
      %swap3A_103 = arith.index_cast %scan3A_12 : i32 to index
      %swap3A_104 = arith.constant 96 : index
      %swap3A_105 = tpu.vector_load %arg8[%swap3A_103, %swap3A_104] {strides = array<i32>} : memref<72x256xf32, #tpu.memory_space<vmem>>, vector<1x16xf32>,
      %swap3A_106 = vector.shape_cast %swap3A_105 : vector<1x16xf32> to vector<16xf32>
      %swap3A_107 = vector.shape_cast %sub3A_102 : vector<16xf32> to vector<1x16xf32>
      tpu.vector_store %arg8[%swap3A_103, %swap3A_104], %swap3A_107 {strides = array<i32>} : memref<72x256xf32, #tpu.memory_space<vmem>>, vector<1x16xf32>,
      %get3A_108 = arith.index_cast %scan3A_12 : i32 to index
      %get3A_109 = arith.constant 112 : index
      %get3A_110 = tpu.vector_load %arg8[%get3A_108, %get3A_109] {strides = array<i32>} : memref<72x256xf32, #tpu.memory_space<vmem>>, vector<1x16xf32>,
      %get3A_111 = vector.shape_cast %get3A_110 : vector<1x16xf32> to vector<16xf32>
      %get3A_112 = arith.index_cast %scan3A_12 : i32 to index
      %get3A_113 = arith.constant 112 : index
      %get3A_114 = tpu.vector_load %arg7[%get3A_112, %get3A_113] {strides = array<i32>} : memref<72x256xf32, #tpu.memory_space<vmem>>, vector<1x16xf32>,
      %get3A_115 = vector.shape_cast %get3A_114 : vector<1x16xf32> to vector<16xf32>
      %sub3A_116 = arith.subf %get3A_111, %get3A_115 : vector<16xf32>
      %swap3A_117 = arith.index_cast %scan3A_12 : i32 to index
      %swap3A_118 = arith.constant 112 : index
      %swap3A_119 = tpu.vector_load %arg8[%swap3A_117, %swap3A_118] {strides = array<i32>} : memref<72x256xf32, #tpu.memory_space<vmem>>, vector<1x16xf32>,
      %swap3A_120 = vector.shape_cast %swap3A_119 : vector<1x16xf32> to vector<16xf32>
      %swap3A_121 = vector.shape_cast %sub3A_116 : vector<16xf32> to vector<1x16xf32>
      tpu.vector_store %arg8[%swap3A_117, %swap3A_118], %swap3A_121 {strides = array<i32>} : memref<72x256xf32, #tpu.memory_space<vmem>>, vector<1x16xf32>,
      %get3A_122 = arith.index_cast %scan3A_12 : i32 to index
      %get3A_123 = arith.constant 128 : index
      %get3A_124 = tpu.vector_load %arg8[%get3A_122, %get3A_123] {strides = array<i32>} : memref<72x256xf32, #tpu.memory_space<vmem>>, vector<1x16xf32>,
      %get3A_125 = vector.shape_cast %get3A_124 : vector<1x16xf32> to vector<16xf32>
      %get3A_126 = arith.index_cast %scan3A_12 : i32 to index
      %get3A_127 = arith.constant 128 : index
      %get3A_128 = tpu.vector_load %arg7[%get3A_126, %get3A_127] {strides = array<i32>} : memref<72x256xf32, #tpu.memory_space<vmem>>, vector<1x16xf32>,
      %get3A_129 = vector.shape_cast %get3A_128 : vector<1x16xf32> to vector<16xf32>
      %sub3A_130 = arith.subf %get3A_125, %get3A_129 : vector<16xf32>
      %swap3A_131 = arith.index_cast %scan3A_12 : i32 to index
      %swap3A_132 = arith.constant 128 : index
      %swap3A_133 = tpu.vector_load %arg8[%swap3A_131, %swap3A_132] {strides = array<i32>} : memref<72x256xf32, #tpu.memory_space<vmem>>, vector<1x16xf32>,
      %swap3A_134 = vector.shape_cast %swap3A_133 : vector<1x16xf32> to vector<16xf32>
      %swap3A_135 = vector.shape_cast %sub3A_130 : vector<16xf32> to vector<1x16xf32>
      tpu.vector_store %arg8[%swap3A_131, %swap3A_132], %swap3A_135 {strides = array<i32>} : memref<72x256xf32, #tpu.memory_space<vmem>>, vector<1x16xf32>,
      %get3A_136 = arith.index_cast %scan3A_12 : i32 to index
      %get3A_137 = arith.constant 144 : index
      %get3A_138 = tpu.vector_load %arg8[%get3A_136, %get3A_137] {strides = array<i32>} : memref<72x256xf32, #tpu.memory_space<vmem>>, vector<1x16xf32>,
      %get3A_139 = vector.shape_cast %get3A_138 : vector<1x16xf32> to vector<16xf32>
      %get3A_140 = arith.index_cast %scan3A_12 : i32 to index
      %get3A_141 = arith.constant 144 : index
      %get3A_142 = tpu.vector_load %arg7[%get3A_140, %get3A_141] {strides = array<i32>} : memref<72x256xf32, #tpu.memory_space<vmem>>, vector<1x16xf32>,
      %get3A_143 = vector.shape_cast %get3A_142 : vector<1x16xf32> to vector<16xf32>
      %sub3A_144 = arith.subf %get3A_139, %get3A_143 : vector<16xf32>
      %swap3A_145 = arith.index_cast %scan3A_12 : i32 to index
      %swap3A_146 = arith.constant 144 : index
      %swap3A_147 = tpu.vector_load %arg8[%swap3A_145, %swap3A_146] {strides = array<i32>} : memref<72x256xf32, #tpu.memory_space<vmem>>, vector<1x16xf32>,
      %swap3A_148 = vector.shape_cast %swap3A_147 : vector<1x16xf32> to vector<16xf32>
      %swap3A_149 = vector.shape_cast %sub3A_144 : vector<16xf32> to vector<1x16xf32>
      tpu.vector_store %arg8[%swap3A_145, %swap3A_146], %swap3A_149 {strides = array<i32>} : memref<72x256xf32, #tpu.memory_space<vmem>>, vector<1x16xf32>,
      %get3A_150 = arith.index_cast %scan3A_12 : i32 to index
      %get3A_151 = arith.constant 160 : index
      %get3A_152 = tpu.vector_load %arg8[%get3A_150, %get3A_151] {strides = array<i32>} : memref<72x256xf32, #tpu.memory_space<vmem>>, vector<1x16xf32>,
      %get3A_153 = vector.shape_cast %get3A_152 : vector<1x16xf32> to vector<16xf32>
      %get3A_154 = arith.index_cast %scan3A_12 : i32 to index
      %get3A_155 = arith.constant 160 : index
      %get3A_156 = tpu.vector_load %arg7[%get3A_154, %get3A_155] {strides = array<i32>} : memref<72x256xf32, #tpu.memory_space<vmem>>, vector<1x16xf32>,
      %get3A_157 = vector.shape_cast %get3A_156 : vector<1x16xf32> to vector<16xf32>
      %sub3A_158 = arith.subf %get3A_153, %get3A_157 : vector<16xf32>
      %swap3A_159 = arith.index_cast %scan3A_12 : i32 to index
      %swap3A_160 = arith.constant 160 : index
      %swap3A_161 = tpu.vector_load %arg8[%swap3A_159, %swap3A_160] {strides = array<i32>} : memref<72x256xf32, #tpu.memory_space<vmem>>, vector<1x16xf32>,
      %swap3A_162 = vector.shape_cast %swap3A_161 : vector<1x16xf32> to vector<16xf32>
      %swap3A_163 = vector.shape_cast %sub3A_158 : vector<16xf32> to vector<1x16xf32>
      tpu.vector_store %arg8[%swap3A_159, %swap3A_160], %swap3A_163 {strides = array<i32>} : memref<72x256xf32, #tpu.memory_space<vmem>>, vector<1x16xf32>,
      %get3A_164 = arith.index_cast %scan3A_12 : i32 to index
      %get3A_165 = arith.constant 176 : index
      %get3A_166 = tpu.vector_load %arg8[%get3A_164, %get3A_165] {strides = array<i32>} : memref<72x256xf32, #tpu.memory_space<vmem>>, vector<1x16xf32>,
      %get3A_167 = vector.shape_cast %get3A_166 : vector<1x16xf32> to vector<16xf32>
      %get3A_168 = arith.index_cast %scan3A_12 : i32 to index
      %get3A_169 = arith.constant 176 : index
      %get3A_170 = tpu.vector_load %arg7[%get3A_168, %get3A_169] {strides = array<i32>} : memref<72x256xf32, #tpu.memory_space<vmem>>, vector<1x16xf32>,
      %get3A_171 = vector.shape_cast %get3A_170 : vector<1x16xf32> to vector<16xf32>
      %sub3A_172 = arith.subf %get3A_167, %get3A_171 : vector<16xf32>
      %swap3A_173 = arith.index_cast %scan3A_12 : i32 to index
      %swap3A_174 = arith.constant 176 : index
      %swap3A_175 = tpu.vector_load %arg8[%swap3A_173, %swap3A_174] {strides = array<i32>} : memref<72x256xf32, #tpu.memory_space<vmem>>, vector<1x16xf32>,
      %swap3A_176 = vector.shape_cast %swap3A_175 : vector<1x16xf32> to vector<16xf32>
      %swap3A_177 = vector.shape_cast %sub3A_172 : vector<16xf32> to vector<1x16xf32>
      tpu.vector_store %arg8[%swap3A_173, %swap3A_174], %swap3A_177 {strides = array<i32>} : memref<72x256xf32, #tpu.memory_space<vmem>>, vector<1x16xf32>,
      %get3A_178 = arith.index_cast %scan3A_12 : i32 to index
      %get3A_179 = arith.constant 192 : index
      %get3A_180 = tpu.vector_load %arg8[%get3A_178, %get3A_179] {strides = array<i32>} : memref<72x256xf32, #tpu.memory_space<vmem>>, vector<1x16xf32>,
      %get3A_181 = vector.shape_cast %get3A_180 : vector<1x16xf32> to vector<16xf32>
      %get3A_182 = arith.index_cast %scan3A_12 : i32 to index
      %get3A_183 = arith.constant 192 : index
      %get3A_184 = tpu.vector_load %arg7[%get3A_182, %get3A_183] {strides = array<i32>} : memref<72x256xf32, #tpu.memory_space<vmem>>, vector<1x16xf32>,
      %get3A_185 = vector.shape_cast %get3A_184 : vector<1x16xf32> to vector<16xf32>
      %sub3A_186 = arith.subf %get3A_181, %get3A_185 : vector<16xf32>
      %swap3A_187 = arith.index_cast %scan3A_12 : i32 to index
      %swap3A_188 = arith.constant 192 : index
      %swap3A_189 = tpu.vector_load %arg8[%swap3A_187, %swap3A_188] {strides = array<i32>} : memref<72x256xf32, #tpu.memory_space<vmem>>, vector<1x16xf32>,
      %swap3A_190 = vector.shape_cast %swap3A_189 : vector<1x16xf32> to vector<16xf32>
      %swap3A_191 = vector.shape_cast %sub3A_186 : vector<16xf32> to vector<1x16xf32>
      tpu.vector_store %arg8[%swap3A_187, %swap3A_188], %swap3A_191 {strides = array<i32>} : memref<72x256xf32, #tpu.memory_space<vmem>>, vector<1x16xf32>,
      %get3A_192 = arith.index_cast %scan3A_12 : i32 to index
      %get3A_193 = arith.constant 208 : index
      %get3A_194 = tpu.vector_load %arg8[%get3A_192, %get3A_193] {strides = array<i32>} : memref<72x256xf32, #tpu.memory_space<vmem>>, vector<1x16xf32>,
      %get3A_195 = vector.shape_cast %get3A_194 : vector<1x16xf32> to vector<16xf32>
      %get3A_196 = arith.index_cast %scan3A_12 : i32 to index
      %get3A_197 = arith.constant 208 : index
      %get3A_198 = tpu.vector_load %arg7[%get3A_196, %get3A_197] {strides = array<i32>} : memref<72x256xf32, #tpu.memory_space<vmem>>, vector<1x16xf32>,
      %get3A_199 = vector.shape_cast %get3A_198 : vector<1x16xf32> to vector<16xf32>
      %sub3A_200 = arith.subf %get3A_195, %get3A_199 : vector<16xf32>
      %swap3A_201 = arith.index_cast %scan3A_12 : i32 to index
      %swap3A_202 = arith.constant 208 : index
      %swap3A_203 = tpu.vector_load %arg8[%swap3A_201, %swap3A_202] {strides = array<i32>} : memref<72x256xf32, #tpu.memory_space<vmem>>, vector<1x16xf32>,
      %swap3A_204 = vector.shape_cast %swap3A_203 : vector<1x16xf32> to vector<16xf32>
      %swap3A_205 = vector.shape_cast %sub3A_200 : vector<16xf32> to vector<1x16xf32>
      tpu.vector_store %arg8[%swap3A_201, %swap3A_202], %swap3A_205 {strides = array<i32>} : memref<72x256xf32, #tpu.memory_space<vmem>>, vector<1x16xf32>,
      %get3A_206 = arith.index_cast %scan3A_12 : i32 to index
      %get3A_207 = arith.constant 224 : index
      %get3A_208 = tpu.vector_load %arg8[%get3A_206, %get3A_207] {strides = array<i32>} : memref<72x256xf32, #tpu.memory_space<vmem>>, vector<1x16xf32>,
      %get3A_209 = vector.shape_cast %get3A_208 : vector<1x16xf32> to vector<16xf32>
      %get3A_210 = arith.index_cast %scan3A_12 : i32 to index
      %get3A_211 = arith.constant 224 : index
      %get3A_212 = tpu.vector_load %arg7[%get3A_210, %get3A_211] {strides = array<i32>} : memref<72x256xf32, #tpu.memory_space<vmem>>, vector<1x16xf32>,
      %get3A_213 = vector.shape_cast %get3A_212 : vector<1x16xf32> to vector<16xf32>
      %sub3A_214 = arith.subf %get3A_209, %get3A_213 : vector<16xf32>
      %swap3A_215 = arith.index_cast %scan3A_12 : i32 to index
      %swap3A_216 = arith.constant 224 : index
      %swap3A_217 = tpu.vector_load %arg8[%swap3A_215, %swap3A_216] {strides = array<i32>} : memref<72x256xf32, #tpu.memory_space<vmem>>, vector<1x16xf32>,
      %swap3A_218 = vector.shape_cast %swap3A_217 : vector<1x16xf32> to vector<16xf32>
      %swap3A_219 = vector.shape_cast %sub3A_214 : vector<16xf32> to vector<1x16xf32>
      tpu.vector_store %arg8[%swap3A_215, %swap3A_216], %swap3A_219 {strides = array<i32>} : memref<72x256xf32, #tpu.memory_space<vmem>>, vector<1x16xf32>,
      %get3A_220 = arith.index_cast %scan3A_12 : i32 to index
      %get3A_221 = arith.constant 240 : index
      %get3A_222 = tpu.vector_load %arg8[%get3A_220, %get3A_221] {strides = array<i32>} : memref<72x256xf32, #tpu.memory_space<vmem>>, vector<1x16xf32>,
      %get3A_223 = vector.shape_cast %get3A_222 : vector<1x16xf32> to vector<16xf32>
      %get3A_224 = arith.index_cast %scan3A_12 : i32 to index
      %get3A_225 = arith.constant 240 : index
      %get3A_226 = tpu.vector_load %arg7[%get3A_224, %get3A_225] {strides = array<i32>} : memref<72x256xf32, #tpu.memory_space<vmem>>, vector<1x16xf32>,
      %get3A_227 = vector.shape_cast %get3A_226 : vector<1x16xf32> to vector<16xf32>
      %sub3A_228 = arith.subf %get3A_223, %get3A_227 : vector<16xf32>
      %swap3A_229 = arith.index_cast %scan3A_12 : i32 to index
      %swap3A_230 = arith.constant 240 : index
      %swap3A_231 = tpu.vector_load %arg8[%swap3A_229, %swap3A_230] {strides = array<i32>} : memref<72x256xf32, #tpu.memory_space<vmem>>, vector<1x16xf32>,
      %swap3A_232 = vector.shape_cast %swap3A_231 : vector<1x16xf32> to vector<16xf32>
      %swap3A_233 = vector.shape_cast %sub3A_228 : vector<16xf32> to vector<1x16xf32>
      tpu.vector_store %arg8[%swap3A_229, %swap3A_230], %swap3A_233 {strides = array<i32>} : memref<72x256xf32, #tpu.memory_space<vmem>>, vector<1x16xf32>,
    }
    %scan3A_11 = arith.constant 72 : i32
    "tpu.region"() ({
      %run_scoped3A = tpu.sem_alloc : memref<!tpu.dma_semaphore, #tpu.memory_space<semaphore_mem>>
      %dma_start3A_12 = arith.constant 0 : i32
      %dma_start3A_13 = tpu.memref_slice %arg5[%mul3A_2, %dma_start3A_12] : memref<2304x256xf32, #tpu.memory_space<hbm>> -> memref<72x256xf32, #tpu.memory_space<hbm>>
      %dma_start3A_14 = arith.constant 0 : i32
      %dma_start3A_15 = tpu.memref_slice %arg5[%mul3A_2, %dma_start3A_14] : memref<2304x256xf32, #tpu.memory_space<hbm>> -> memref<72x256xf32, #tpu.memory_space<hbm>>
      tpu.enqueue_dma source(%arg8 : memref<72x256xf32, #tpu.memory_space<vmem>>) target(%dma_start3A_15 : memref<72x256xf32, #tpu.memory_space<hbm>>) target_semaphore(%run_scoped3A : memref<!tpu.dma_semaphore, #tpu.memory_space<semaphore_mem>>)
      %dma_wait3A_16 = arith.constant 0 : i32
      %dma_wait3A_17 = tpu.memref_slice %arg5[%mul3A_2, %dma_wait3A_16] : memref<2304x256xf32, #tpu.memory_space<hbm>> -> memref<72x256xf32, #tpu.memory_space<hbm>>
      %dma_wait3A_18 = arith.constant 0 : i32
      %dma_wait3A_19 = tpu.memref_slice %arg5[%mul3A_2, %dma_wait3A_18] : memref<2304x256xf32, #tpu.memory_space<hbm>> -> memref<72x256xf32, #tpu.memory_space<hbm>>
      tpu.wait_dma2 semaphore(%run_scoped3A : memref<!tpu.dma_semaphore, #tpu.memory_space<semaphore_mem>>) src(%arg8 : memref<72x256xf32, #tpu.memory_space<vmem>>) dst(%dma_wait3A_19 : memref<72x256xf32, #tpu.memory_space<hbm>>)
      tpu.yield
    }) : () -> ()
    return
  }
}

module attributes {stable_mosaic.version = 14 : i64} {
  func.func @_argmin_kernel(%arg0: i32, %arg1: memref<2304x256xf32, #tpu.memory_space<vmem>>, %arg2: memref<2048x256xf32, #tpu.memory_space<vmem>>, %arg3: memref<2304x1xf32, #tpu.memory_space<vmem>>, %arg4: memref<1x2048xf32, #tpu.memory_space<vmem>>, %arg5: memref<2304x1xi32, #tpu.memory_space<vmem>>, %arg6: memref<2304x256xf32, #tpu.memory_space<vmem>>, %arg7: memref<2304x1xf32, #tpu.memory_space<vmem>>, %arg8: memref<2304x1xi32, #tpu.memory_space<vmem>>) attributes {dimension_semantics = [#tpu.dimension_semantics<arbitrary>], iteration_bounds = array<i64: 4>, scalar_prefetch = 0 : i64, scratch_operands = 3 : i64, tpu.core_type = #tpu.core_type<tc>, window_params = [{pipeline_mode = #tpu.pipeline_mode<synchronous>, transform_indices = @transform_0, window_bounds = array<i64: 2304, 256>}, {transform_indices = @transform_1, window_bounds = array<i64: 2048, 256>}, {pipeline_mode = #tpu.pipeline_mode<synchronous>, transform_indices = @transform_2, window_bounds = array<i64: 2304, 1>}, {transform_indices = @transform_3, window_bounds = array<i64: 1, 2048>}, {pipeline_mode = #tpu.pipeline_mode<synchronous>, transform_indices = @transform_4, window_bounds = array<i64: 2304, 1>}]} {
    %eq3A = arith.constant 0 : i32
    %eq3A_0 = arith.cmpi eq, %arg0, %eq3A : i32
    %convert_element_type3A = arith.extui %eq3A_0 : i1 to i32
    %cond3A = arith.constant 0 : i32
    %cond3A_1 = arith.cmpi ne, %convert_element_type3A, %cond3A : i32
    scf.if %cond3A_1 {
      %get3A_44 = arith.constant 0 : index
      %get3A_45 = arith.constant 0 : index
      %get3A_46 = vector.load %arg1[%get3A_44, %get3A_45] : memref<2304x256xf32, #tpu.memory_space<vmem>>, vector<2304x256xf32>
      %mul3A_47 = arith.constant 2.000000e+00 : f32
      %mul3A_48 = vector.broadcast %mul3A_47 : f32 to vector<2304x256xf32>
      %mul3A_49 = arith.mulf %get3A_46, %mul3A_48 : vector<2304x256xf32>
      %swap3A = arith.constant 0 : index
      %swap3A_50 = arith.constant 0 : index
      %swap3A_51 = vector.load %arg6[%swap3A, %swap3A_50] : memref<2304x256xf32, #tpu.memory_space<vmem>>, vector<2304x256xf32>
      tpu.vector_store %arg6[%swap3A, %swap3A_50], %mul3A_49 {strides = array<i32>} : memref<2304x256xf32, #tpu.memory_space<vmem>>, vector<2304x256xf32>,
    } else {
    }
    %get3A = arith.constant 0 : index
    %get3A_2 = arith.constant 0 : index
    %get3A_3 = vector.load %arg6[%get3A, %get3A_2] : memref<2304x256xf32, #tpu.memory_space<vmem>>, vector<2304x256xf32>
    %get3A_4 = arith.constant 0 : index
    %get3A_5 = arith.constant 0 : index
    %get3A_6 = vector.load %arg2[%get3A_4, %get3A_5] : memref<2048x256xf32, #tpu.memory_space<vmem>>, vector<2048x256xf32>
    %dot_general3A = arith.constant dense<0.000000e+00> : vector<2304x2048xf32>
    %dot_general3A_7 = tpu.matmul %get3A_3, %get3A_6, %dot_general3A {dimension_numbers = #tpu.dot_dimension_numbers<[1], [1], [0], [0], [0, 0, 1, 0], [], []>, transpose_lhs_hint = false} : vector<2304x256xf32>, vector<2048x256xf32>, vector<2304x2048xf32> -> vector<2304x2048xf32>
    %get3A_8 = arith.constant 0 : index
    %get3A_9 = arith.constant 0 : index
    %get3A_10 = vector.load %arg3[%get3A_8, %get3A_9] : memref<2304x1xf32, #tpu.memory_space<vmem>>, vector<2304x1xf32>
    %get3A_11 = arith.constant 0 : index
    %get3A_12 = arith.constant 0 : index
    %get3A_13 = vector.load %arg4[%get3A_11, %get3A_12] : memref<1x2048xf32, #tpu.memory_space<vmem>>, vector<1x2048xf32>
    %add3A = vector.broadcast %get3A_10 : vector<2304x1xf32> to vector<2304x2048xf32>
    %add3A_14 = vector.broadcast %get3A_13 : vector<1x2048xf32> to vector<2304x2048xf32>
    %add3A_15 = arith.addf %add3A, %add3A_14 : vector<2304x2048xf32>
    %sub3A = arith.subf %add3A_15, %dot_general3A_7 : vector<2304x2048xf32>
    %reduce_min3A = arith.constant dense<0x7F800000> : vector<2304xf32>
    %reduce_min3A_16 = vector.multi_reduction <minimumf>, %sub3A, %reduce_min3A [1] : vector<2304x2048xf32> to vector<2304xf32>
    %broadcast_in_dim3A = vector.shape_cast %reduce_min3A_16 : vector<2304xf32> to vector<2304x1xf32>
    %iota3A = tpu.iota {dimensions = array<i32: 1>} : vector<1x2048xi32>
    %convert_element_type3A_17 = arith.sitofp %iota3A : vector<1x2048xi32> to vector<1x2048xf32>
    %eq3A_18 = vector.broadcast %broadcast_in_dim3A : vector<2304x1xf32> to vector<2304x2048xf32>
    %eq3A_19 = arith.cmpf oeq, %sub3A, %eq3A_18 : vector<2304x2048xf32>
    %jit3A = arith.constant 8.192000e+03 : f32
    %broadcast_in_dim3A_20 = vector.shape_cast %convert_element_type3A_17 : vector<1x2048xf32> to vector<1x2048xf32>
    %broadcast_in_dim3A_21 = vector.broadcast %broadcast_in_dim3A_20 : vector<1x2048xf32> to vector<2304x2048xf32>
    %broadcast_in_dim3A_22 = vector.broadcast %jit3A : f32 to vector<2304x2048xf32>
    %select_n3A = arith.select %eq3A_19, %broadcast_in_dim3A_21, %broadcast_in_dim3A_22 : vector<2304x2048xi1>, vector<2304x2048xf32>
    %reduce_min3A_23 = arith.constant dense<0x7F800000> : vector<2304xf32>
    %reduce_min3A_24 = vector.multi_reduction <minimumf>, %select_n3A, %reduce_min3A_23 [1] : vector<2304x2048xf32> to vector<2304xf32>
    %broadcast_in_dim3A_25 = vector.shape_cast %reduce_min3A_24 : vector<2304xf32> to vector<2304x1xf32>
    %convert_element_type3A_26 = arith.fptosi %broadcast_in_dim3A_25 : vector<2304x1xf32> to vector<2304x1xi32>
    %mul3A = arith.constant 2048 : i32
    %mul3A_27 = arith.muli %arg0, %mul3A : i32
    %add3A_28 = vector.broadcast %mul3A_27 : i32 to vector<2304x1xi32>
    %add3A_29 = arith.addi %convert_element_type3A_26, %add3A_28 : vector<2304x1xi32>
    %eq3A_30 = arith.constant 0 : i32
    %eq3A_31 = arith.cmpi eq, %arg0, %eq3A_30 : i32
    %convert_element_type3A_32 = arith.extui %eq3A_31 : i1 to i32
    %cond3A_33 = arith.constant 0 : i32
    %cond3A_34 = arith.cmpi ne, %convert_element_type3A_32, %cond3A_33 : i32
    scf.if %cond3A_34 {
      %swap3A = arith.constant 0 : index
      %swap3A_44 = arith.constant 0 : index
      %swap3A_45 = vector.load %arg7[%swap3A, %swap3A_44] : memref<2304x1xf32, #tpu.memory_space<vmem>>, vector<2304x1xf32>
      tpu.vector_store %arg7[%swap3A, %swap3A_44], %broadcast_in_dim3A {strides = array<i32>} : memref<2304x1xf32, #tpu.memory_space<vmem>>, vector<2304x1xf32>,
      %swap3A_46 = arith.constant 0 : index
      %swap3A_47 = arith.constant 0 : index
      %swap3A_48 = vector.load %arg8[%swap3A_46, %swap3A_47] : memref<2304x1xi32, #tpu.memory_space<vmem>>, vector<2304x1xi32>
      tpu.vector_store %arg8[%swap3A_46, %swap3A_47], %add3A_29 {strides = array<i32>} : memref<2304x1xi32, #tpu.memory_space<vmem>>, vector<2304x1xi32>,
    } else {
    }
    %gt3A = arith.constant 0 : i32
    %gt3A_35 = arith.cmpi sgt, %arg0, %gt3A : i32
    %convert_element_type3A_36 = arith.extui %gt3A_35 : i1 to i32
    %cond3A_37 = arith.constant 0 : i32
    %cond3A_38 = arith.cmpi ne, %convert_element_type3A_36, %cond3A_37 : i32
    scf.if %cond3A_38 {
      %get3A_44 = arith.constant 0 : index
      %get3A_45 = arith.constant 0 : index
      %get3A_46 = vector.load %arg7[%get3A_44, %get3A_45] : memref<2304x1xf32, #tpu.memory_space<vmem>>, vector<2304x1xf32>
      %get3A_47 = arith.constant 0 : index
      %get3A_48 = arith.constant 0 : index
      %get3A_49 = vector.load %arg8[%get3A_47, %get3A_48] : memref<2304x1xi32, #tpu.memory_space<vmem>>, vector<2304x1xi32>
      %lt3A = arith.cmpf olt, %broadcast_in_dim3A, %get3A_46 : vector<2304x1xf32>
      %select_n3A_50 = arith.select %lt3A, %broadcast_in_dim3A, %get3A_46 : vector<2304x1xi1>, vector<2304x1xf32>
      %swap3A = arith.constant 0 : index
      %swap3A_51 = arith.constant 0 : index
      %swap3A_52 = vector.load %arg7[%swap3A, %swap3A_51] : memref<2304x1xf32, #tpu.memory_space<vmem>>, vector<2304x1xf32>
      tpu.vector_store %arg7[%swap3A, %swap3A_51], %select_n3A_50 {strides = array<i32>} : memref<2304x1xf32, #tpu.memory_space<vmem>>, vector<2304x1xf32>,
      %select_n3A_53 = arith.select %lt3A, %add3A_29, %get3A_49 : vector<2304x1xi1>, vector<2304x1xi32>
      %swap3A_54 = arith.constant 0 : index
      %swap3A_55 = arith.constant 0 : index
      %swap3A_56 = vector.load %arg8[%swap3A_54, %swap3A_55] : memref<2304x1xi32, #tpu.memory_space<vmem>>, vector<2304x1xi32>
      tpu.vector_store %arg8[%swap3A_54, %swap3A_55], %select_n3A_53 {strides = array<i32>} : memref<2304x1xi32, #tpu.memory_space<vmem>>, vector<2304x1xi32>,
    } else {
    }
    %eq3A_39 = arith.constant 3 : i32
    %eq3A_40 = arith.cmpi eq, %arg0, %eq3A_39 : i32
    %convert_element_type3A_41 = arith.extui %eq3A_40 : i1 to i32
    %cond3A_42 = arith.constant 0 : i32
    %cond3A_43 = arith.cmpi ne, %convert_element_type3A_41, %cond3A_42 : i32
    scf.if %cond3A_43 {
      %get3A_44 = arith.constant 0 : index
      %get3A_45 = arith.constant 0 : index
      %get3A_46 = vector.load %arg8[%get3A_44, %get3A_45] : memref<2304x1xi32, #tpu.memory_space<vmem>>, vector<2304x1xi32>
      %swap3A = arith.constant 0 : index
      %swap3A_47 = arith.constant 0 : index
      %swap3A_48 = vector.load %arg5[%swap3A, %swap3A_47] : memref<2304x1xi32, #tpu.memory_space<vmem>>, vector<2304x1xi32>
      tpu.vector_store %arg5[%swap3A, %swap3A_47], %get3A_46 {strides = array<i32>} : memref<2304x1xi32, #tpu.memory_space<vmem>>, vector<2304x1xi32>,
    } else {
    }
    return
  }
  func.func @transform_0(%arg0: i32) -> (i32, i32) {
    %c0_i32 = arith.constant 0 : i32
    %c0_i32_0 = arith.constant 0 : i32
    %c0_i32_1 = arith.constant 0 : i32
    return %c0_i32, %c0_i32_0 : i32, i32
  }
  func.func @transform_1(%arg0: i32) -> (i32, i32) {
    %c0_i32 = arith.constant 0 : i32
    %c0_i32_0 = arith.constant 0 : i32
    return %arg0, %c0_i32 : i32, i32
  }
  func.func @transform_2(%arg0: i32) -> (i32, i32) {
    %c0_i32 = arith.constant 0 : i32
    %c0_i32_0 = arith.constant 0 : i32
    %c0_i32_1 = arith.constant 0 : i32
    return %c0_i32, %c0_i32_0 : i32, i32
  }
  func.func @transform_3(%arg0: i32) -> (i32, i32) {
    %c0_i32 = arith.constant 0 : i32
    %c0_i32_0 = arith.constant 0 : i32
    return %c0_i32, %arg0 : i32, i32
  }
  func.func @transform_4(%arg0: i32) -> (i32, i32) {
    %c0_i32 = arith.constant 0 : i32
    %c0_i32_0 = arith.constant 0 : i32
    %c0_i32_1 = arith.constant 0 : i32
    return %c0_i32, %c0_i32_0 : i32, i32
  }
}

</mosaic_0001>

<sc_bundles>
// kernel: kernel.6.cloned.1.call-start
scs
__scs_entry_jumppad:
0x0: {  	(pc) =	sbr.rel $0x88, $3  }
0x1: {  	(tag) =	ssettag $0x0;
	lr =	simm.s32 $0x1  }
0x2: {  	[smem:$0x3F9F] =	sst lr;
	_ =	strace $0xD0000000  }
0x3: {  	_ = 	snop  }
0x4: {  	_ = 	snop  }
0x5: {  	_ = 	snop  }
0x6: {  	_ = 	snop  }
0x7: {  	_ = 	snop  }
__scs_overlays_trampoline_lowered:
0x8: {  	[smem:$0x3FAE] =	sst s0  }
0x9: {  	[smem:$0x3FAF] =	sst s1  }
0xa: {  	[smem:$0x3FB0] =	sst s2  }
0xb: {  	[smem:$0x3FB1] =	sst s3  }
0xc: {  	[smem:$0x3FB2] =	sst s4  }
0xd: {  	[smem:$0x3FB3] =	sst s5  }
0xe: {  	[smem:$0x3FB4] =	sst s6  }
0xf: {  	[smem:$0x3FB5] =	sst s7  }
0x10: {  	[smem:$0x3FB6] =	sst s8  }
0x11: {  	[smem:$0x3FB7] =	sst s9;
	s0 =	simm.s32 @!p0 $0x0  }
0x12: {  	s1 =	sld [smem:$0x3F9D];
	s0 =	simm.s32 @p0 $0x1  }
0x13: {  	[smem:$0x3FB8] =	sst s0;
	s0 =	simm.s32 @!p1 $0x0  }
0x14: {  	s2 =	sld [smem:$0x3F9C];
	s0 =	simm.s32 @p1 $0x1  }
0x15: {  	[smem:$0x3FB9] =	sst s0;
	s0 =	simm.s32 @!p2 $0x0  }
0x16: {  	s3 =	sld [smem:$0x3FDB];
	s0 =	simm.s32 @p2 $0x1  }
0x17: {  	s4 =	simm.s32 $0x1BF5;
	[smem:$0x3FBB] =	sst s0  }
0x18: {  	s0 =	sld [smem:$0x3F9E];
	_ =	swait.ge [sflag:s4], $0x0  }
0x19: {  	s7 =	sld [smem:$0x3F9F]  }
0x1a: {  	s8 =	sadd.s32 $0xFFFFE003, lr  }
0x1b: {  	s9 =	sadd.s32 $0xFFFFFEF7, lr;
	s5 =	simm.s32 $0xFFFFFFFF;
	p2 =	slt.u32 s8, $0xFFFFF086  }
0x1c: {  	p1 =	slt.u32 s9, $0xF7A;
	s5 =	simm.s32 @!p2 $0x0  }
0x1d: {  	s5 =	simm.s32 @p1 $0x1;
	p0 =	seq.s32 s7, s2  }
0x1e: {  	s7 =	smul.u32 @!p0 $0xF7A, s2;
	p2 =	seq.s32 @!p0 s5, $0x0  }
0x1f: {  	s9 =	smul.u32 $0xF7A, s1;
	s8 =	simm.s32 @!p0 $0x1BF5;
	p2 =	por !p2, p0  }
0x20: {  	[sflag:s8] =	ssyncset.s32 @!p0 $0xFFFFF086;
	s6 =	sadd.s32 @!p0 s3, s7;
	s7 =	simm.s32 @!p0 $0x108  }
0x21: {  	s3 =	sadd.s32 s3, s9;
	s6 =	sadd.s32 @!p0 $0x88, s6;
	s7 =	simm.s32 @p2 $0x1082  }
0x22: {  	[simem:s7], [sflag:s8] =	dma.local @!p0 [hbm:s6], $0xF7A  }
0x23: {  	s9 =	sor.u32 $0xD0000000, s2;
	s6 =	simm.s32 $0x108;
	_ =	swait.ge @!p0 [sflag:s8], $0x0  }
0x24: {  	s3 =	sadd.s32 $0x88, s3;
	s6 =	simm.s32 @!p1 $0x1082;
	[sflag:s4] =	ssyncset.s32 $0xFFFFF086  }
0x25: {  	[simem:s6], [sflag:s4] =	dma.local [hbm:s3], $0xF7A  }
0x26: {  	[smem:$0x3F9F] =	sst s1;
	(tag) =	ssettag s2;
	_ =	strace s9  }
0x27: {  	s1 =	sld [smem:$0x3FAF]  }
0x28: {  	s2 =	sld [smem:$0x3FB0]  }
0x29: {  	s4 =	sld [smem:$0x3FB2]  }
0x2a: {  	p0 =	seq.s32 s5, $0x0;
	s5 =	sld [smem:$0x3FB3]  }
0x2b: {  	s6 =	sld [smem:$0x3FB4]  }
0x2c: {  	s7 =	sld [smem:$0x3FB5]  }
0x2d: {  	s3 =	simm.s32 $0x108;
	s8 =	sld [smem:$0x3FB6]  }
0x2e: {  	s3 =	simm.s32 @!p0 $0x1082;
	s9 =	sld [smem:$0x3FB7]  }
0x2f: {  	lr =	sadd.s32 s0, s3;
	s0 =	sld [smem:$0x3FAE]  }
0x30: {  	s3 =	sld [smem:$0x3FB1]  }
0x31: {  	[smem:$0x3FBA] =	sst s10  }
0x32: {  	s10 =	sld [smem:$0x3FB8];
	_ =	sdelay $0x3  }
0x33: {  	p0 =	seq.s32 s10, $0x1;
	s10 =	sld [smem:$0x3FBA];
	_ =	sdelay $0x3  }
0x34: {  	[smem:$0x3FBA] =	sst s10  }
0x35: {  	s10 =	sld [smem:$0x3FB9];
	_ =	sdelay $0x3  }
0x36: {  	p1 =	seq.s32 s10, $0x1;
	s10 =	sld [smem:$0x3FBA];
	_ =	sdelay $0x3  }
0x37: {  	[smem:$0x3FBA] =	sst s10  }
0x38: {  	s10 =	sld [smem:$0x3FBB]  }
0x39: {  	_ = 	snop;
	(pc) =	sbr.ind lr, $3  }
0x3a: {  	_ = 	snop  }
0x3b: {  	_ = 	snop  }
0x3c: {  	p2 =	seq.s32 s10, $0x1;
	s10 =	sld [smem:$0x3FBA]  }
0x3d: {  	_ =	shalt  }
0x3e: {  	_ =	shalt  }
0x3f: {  	_ =	shalt  }
0x40: {  	_ =	shalt  }
0x41: {  	_ =	shalt  }
0x42: {  	_ =	shalt  }
0x43: {  	_ =	shalt  }
0x44: {  	_ =	shalt  }
0x45: {  	_ =	shalt  }
0x46: {  	_ =	shalt  }
0x47: {  	_ =	shalt  }
0x48: {  	_ =	shalt  }
0x49: {  	_ =	shalt  }
0x4a: {  	_ =	shalt  }
0x4b: {  	_ =	shalt  }
0x4c: {  	_ =	shalt  }
0x4d: {  	_ =	shalt  }
0x4e: {  	_ =	shalt  }
0x4f: {  	_ =	shalt  }
0x50: {  	_ =	shalt  }
0x51: {  	_ =	shalt  }
0x52: {  	_ =	shalt  }
0x53: {  	_ =	shalt  }
0x54: {  	_ =	shalt  }
0x55: {  	_ =	shalt  }
0x56: {  	_ =	shalt  }
0x57: {  	_ =	shalt  }
0x58: {  	_ =	shalt  }
0x59: {  	_ =	shalt  }
0x5a: {  	_ =	shalt  }
0x5b: {  	_ =	shalt  }
0x5c: {  	_ =	shalt  }
0x5d: {  	_ =	shalt  }
0x5e: {  	_ =	shalt  }
0x5f: {  	_ =	shalt  }
0x60: {  	_ =	shalt  }
0x61: {  	_ =	shalt  }
0x62: {  	_ =	shalt  }
0x63: {  	_ =	shalt  }
0x64: {  	_ =	shalt  }
0x65: {  	_ =	shalt  }
0x66: {  	_ =	shalt  }
0x67: {  	_ =	shalt  }
0x68: {  	_ =	shalt  }
0x69: {  	_ =	shalt  }
0x6a: {  	_ =	shalt  }
0x6b: {  	_ =	shalt  }
0x6c: {  	_ =	shalt  }
0x6d: {  	_ =	shalt  }
0x6e: {  	_ =	shalt  }
0x6f: {  	_ =	shalt  }
0x70: {  	_ =	shalt  }
0x71: {  	_ =	shalt  }
0x72: {  	_ =	shalt  }
0x73: {  	_ =	shalt  }
0x74: {  	_ =	shalt  }
0x75: {  	_ =	shalt  }
0x76: {  	_ =	shalt  }
0x77: {  	_ =	shalt  }
0x78: {  	_ =	shalt  }
0x79: {  	_ =	shalt  }
0x7a: {  	_ =	shalt  }
0x7b: {  	_ =	shalt  }
0x7c: {  	_ =	shalt  }
0x7d: {  	_ =	shalt  }
0x7e: {  	_ =	shalt  }
0x7f: {  	_ =	shalt  }
0x80: {  	_ =	shalt  }
0x81: {  	_ =	shalt  }
0x82: {  	_ =	shalt  }
0x83: {  	_ =	shalt  }
0x84: {  	_ =	shalt  }
0x85: {  	_ =	shalt  }
0x86: {  	_ =	shalt  }
0x87: {  	_ =	shalt  }
.Lfunc_end0:
.L_simem_size_0:
called_computation_lowered:
.L_overlay_start_0:
0x88: {  	s2 =	sld [smem:$0x3FD9]  }
0x89: {  	s3 =	sld [smem:$0x3FFE];
	_ =	sdelay $0x1  }
0x8a: {  	s1 =	srdreg.scid  }
0x8b: {  	s0 =	sand.u32 $0x1, s1  }
0x8c: {  	s14 =	sshll.u32 s0, $0xA;
	s2 =	sadd.s32 s3, s2  }
0x8d: {  	s2 =	sadd.s32 s2, s14  }
0x8e: {  	[smem:$0x3FC6] =	sst s2  }
0x8f: {  	_ = 	snop  }
0x90: {  	s2 =	sld [smem:$0x3FD0];
	_ =	sdelay $0x2  }
0x91: {  	s4 =	simm.s32 $0xA;
	s5 =	simm.s32 $0x10;
	s15 =	sld [smem:$0x3FC9]  }
0x92: {  	[smem:s5], [sflag:s4] =	dma.local [hbm:s2], $0x1  }
0x93: {  	_ =	swait.eq [sflag:s4], $0x1  }
0x94: {  	[sflag:s4] =	ssyncset.done $0x0  }
0x95: {  	[sflag:s4] =	ssyncadd.s32 $0xFFFFFFFF  }
0x96: {  	s16 =	sld [smem:$0x10];
	(tm) =	ssettm $0x1  }
0x97: {  	s17 =	sld [smem:$0x3FFB];
	_ =	sdelay $0x3  }
0x98: {  	_ =	strace s17  }
0x99: {  	s4 =	sld [smem:$0x3FFC];
	_ =	sdelay $0x3  }
0x9a: {  	_ =	strace s4  }
0x9b: {  	s4 =	sld [smem:$0x3FFD];
	_ =	sdelay $0x3  }
0x9c: {  	_ =	strace s4  }
0x9d: {  	_ =	strace $0x8FFFFFFF  }
0x9e: {  	s18 =	sld [smem:$0x3FDB];
	_ =	sdelay $0x1  }
0x9f: {  	s19 =	simm.s32 $_scs_section_size  }
0xa0: {  	s6 =	simm.s32 $_size__tile_overlayer_lowered;
	s7 =	simm.s32 $_tile_overlayer_lowered  }
0xa1: {  	s22 =	simm.s32 $0x1BFF;
	s21 =	sshll.u32 s7, $0x1;
	s4 =	sadd.s32 s19, s18  }
0xa2: {  	s8 =	simm.s32 $0x0;
	s20 =	sshll.u32 s6, $0x1;
	s6 =	sadd.s32 s21, s4  }
0xa3: {  	[timem:s8], [sflag:s22] =	dma.local [hbm:s6], s20  }
0xa4: {  	_ =	swait.ge [sflag:s22], s20  }
0xa5: {  	s5 =	ssub.s32 $0x0, s20;
	[sflag:s22] =	ssyncset.done $0x0  }
0xa6: {  	[sflag:s22] =	ssyncadd.s32 s5;
	_ =	sdelay $0x1  }
0xa7: {  	s23 =	simm.s32 $0x1B8B  }
0xa8: {  	_ =	swait.ge [sflag:s23], $0x1  }
0xa9: {  	[sflag:s23] =	ssyncset.done $0x0  }
0xaa: {  	s25 =	simm.s32 $0x1B8E;
	s24 =	sld [smem:$0x3FFE];
	[sflag:s23] =	ssyncadd.s32 $0xFFFFFFFF  }
0xab: {  	s26 =	simm.s32 $execute0_lowered;
	[smem:$0x3FD2] =	sst s25  }
0xac: {  	s6 =	sshll.u32 s26, $0x1;
	_ =	strace $0x80000046;
	[dreg:$0x1] =	wrdreg $0xFFFFFFFF  }
0xad: {  	s28 =	simm.s32 $_size_execute0_lowered;
	s4 =	sadd.s32 s4, s6;
	[dreg:$0x0] =	wrdreg $0x0  }
0xae: {  	s6 =	sshll.u32 s28, $0x1;
	[dreg:$0x2] =	wrdreg s4  }
0xaf: {  	[dreg:$0x3] =	wrdreg s6  }
0xb0: {  	[dreg:$0x4] =	wrdreg $0xC0  }
0xb1: {  	_ =	task [dreg:s8], $0x5FFFF  }
0xb2: {  	[dreg:$0x1] =	wrdreg $0xFFFFFFFF  }
0xb3: {  	[dreg:$0x0] =	wrdreg $0x60  }
0xb4: {  	[dreg:$0x2] =	wrdreg s24  }
0xb5: {  	[dreg:$0x3] =	wrdreg s16  }
0xb6: {  	[dreg:$0x4] =	wrdreg s15  }
0xb7: {  	[dreg:$0x5] =	wrdreg $0x9  }
0xb8: {  	_ =	task.clear_ibuf [dreg:s8], $0x6FFFF;
	_ =	strace $0x90000046  }
0xb9: {  	s29 =	simm.s32 $0x9;
	_ =	strace $0x80000048  }
0xba: {  	_ =	swait.ge [sflag:s29], $0x1  }
0xbb: {  	[sflag:s29] =	ssyncadd.s32 $0xFFFFFFFF  }
0xbc: {  	_ =	strace $0x90000048  }
0xbd: {  	_ =	sfence  }
0xbe: {  	s30 =	sld [smem:$0x0];
	_ =	sdelay $0x2  }
0xbf: {  	s31 =	sshll.u32 s1, $0xD;
	s1 =	sshrl.u32 s1, $0x2  }
0xc0: {  	s3 =	sand.u32 $0x4000, s31;
	s1 =	sadd.s32 s1, s30  }
0xc1: {  	s0 =	sor.u32 s3, s0;
	s1 =	sshll.u32 s1, $0x11  }
0xc2: {  	s0 =	sor.u32 s1, s0  }
0xc3: {  	s0 =	sadd.s32 $0x8F2B, s0  }
0xc4: {  	[sflag:s0] =	ssyncadd.remote.s32 $0x1  }
0xc5: {  	_ =	sfence.sel $0xFFFF  }
0xc6: {  	[dreg:$0x0] =	wrdreg $0xFFFFFFFF;
	(pc) =	sbr.abs _section_cstart, $3  }
0xc7: {  	[dreg:$0x1] =	wrdreg $0xFFFFFFFF  }
0xc8: {  	_ =	task.clear_ibuf [dreg:s8], $0x2FFFF;
	_ =	strace $0x9FFFFFFF  }
0xc9: {  	(tm) =	ssettm $0x7FFFFFFF  }
tec
execute0_lowered:
.L_overlay_start_1:
0x0: {  	(tag) =	ssettag $0x1  }
0x1: {  	s1 =	rddreg [dreg:$0x0]  }
0x2: {  	s2 =	srdreg.scid;
	s4 =	rddreg [dreg:$0x1]  }
0x3: {  	s0 =	stileid.u32;
	s6 =	rddreg [dreg:$0x2]  }
0x4: {  	s3 =	simm.s32 $0x0;
	s11 =	simm.s32 $0x1080;
	s12 =	simm.s32 $0x1880  }
0x5: {  	s13 =	simm.s32 $0x2080;
	s14 =	simm.s32 $0x2880;
	s15 =	simm.s32 $0x3080  }
0x6: {  	s16 =	simm.s32 $0x3880;
	s5 =	sand.u32 $0x1, s2;
	s31 =	sshll.u32 s0, $0x1  }
0x7: {  	s17 =	simm.s32 $0x4080;
	s18 =	simm.s32 $0x4880;
	s7 =	sor.u32 s5, s31  }
0x8: {  	s19 =	simm.s32 $0x1;
	s20 =	simm.s32 $0x0;
	s8 =	smul.u32 $0x900, s7  }
0x9: {  	[smem:$0x7FF] =	sst s3;
	s5 =	ssub.s32 $0x2, s5;
	s7 =	smul.u32 $0x9, s7  }
0xa: {  	s2 =	rddreg [dreg:$0x3];
	_ =	strace $0x80000047;
	s10 =	sshrl.u32 s5, $0x1  }
0xb: {  	v2 =	vlaneseq.u32;
	s10 =	ssub.s32 s5, s10;
	s9 =	sadd.s32 s8, s1;
	s4 =	sadd.s32 s4, s7  }
0xc: {  	vm0 =	vmmov $0xffff;
	v1 =	vshrl.u32 v2, $0x3;
	s5 =	sadd.s32 s6, s8;
	s7 =	smax.u32 s10, $0x1;
	s8 =	simm.s32 $0x2  }
0xd: {  	v0 =	vand.u32 $0x7, v2;
	v2 =	vor.u32 $0x8, v2;
	v1 =	vmul.u32 $0x8, v1;
	s10 =	simm.s32 $0x880;
	s6 =	sadd.s32 $0x80000, s9;
	s9 =	simm.s32 $0x80  }
.LBB2_1:
0xe: {  	[tilespmem:s3], [sflag:$0x2] =	stream.linear.gather [hbm4b:s4+s3], $0x48, $0x38;
	[tilespmem:$0x9080] =	vst v63  }
0xf: {  	_ =	swait.ge [sflag:s8], $0x48  }
0x10: {  	[sflag:s8] =	ssyncset.done $0x0  }
0x11: {  	[sflag:s8] =	ssyncadd.s32 $0xFFFFFFB8  }
0x12: {  	v3 =	vld [tilespmem:$0x0];
	_ =	sdelay $0x4  }
0x13: {  	v4 =	vshll.u32 v3, $0x1  }
0x14: {  	v3 =	vand.u32 $0x7, v3;
	v4 =	vand.u32 $0xFFFFFFF0, v4  }
0x15: {  	v3 =	vor.u32 v3, v4  }
0x16: {  	v4 =	vperm.xlane v3, v0;
	_ =	sdelay $0x1  }
0x17: {  	v3 =	vperm.xlane v3, v2;
	v4 =	vadd.s32 v1, v4;
	_ =	sdelay $0x1  }
0x18: {  	v3 =	vadd.s32 v1, v3;
	_ =	sdelay $0x2  }
0x19: {  	[tilespmem:s9], [sflag:$0x1] =	stream.indirect_vreg.gather [hbm4b:s1+s3], $0x80, v4, vm0, $0xb8;
	[tilespmem:$0x9080] =	vst v63  }
0x1a: {  	_ = 	snop  }
0x1b: {  	[tilespmem:s10], [sflag:$0x1] =	stream.indirect_vreg.gather [hbm4b:s1+s3], $0x80, v3, vm0, $0xb8;
	[tilespmem:$0x9080] =	vst v63  }
0x1c: {  	v3 =	vld [tilespmem:$0x10];
	_ =	sdelay $0x4  }
0x1d: {  	v4 =	vshll.u32 v3, $0x1  }
0x1e: {  	v3 =	vand.u32 $0x7, v3;
	v4 =	vand.u32 $0xFFFFFFF0, v4  }
0x1f: {  	v3 =	vor.u32 v3, v4  }
0x20: {  	v4 =	vperm.xlane v3, v0;
	_ =	sdelay $0x1  }
0x21: {  	v3 =	vperm.xlane v3, v2;
	v4 =	vadd.s32 v1, v4;
	_ =	sdelay $0x1  }
0x22: {  	v3 =	vadd.s32 v1, v3;
	_ =	sdelay $0x2  }
0x23: {  	[tilespmem:s11], [sflag:$0x1] =	stream.indirect_vreg.gather [hbm4b:s1+s3], $0x80, v4, vm0, $0xb8;
	[tilespmem:$0x9080] =	vst v63  }
0x24: {  	_ = 	snop  }
0x25: {  	[tilespmem:s12], [sflag:$0x1] =	stream.indirect_vreg.gather [hbm4b:s1+s3], $0x80, v3, vm0, $0xb8;
	[tilespmem:$0x9080] =	vst v63  }
0x26: {  	v3 =	vld [tilespmem:$0x20];
	_ =	sdelay $0x4  }
0x27: {  	v4 =	vshll.u32 v3, $0x1  }
0x28: {  	v3 =	vand.u32 $0x7, v3;
	v4 =	vand.u32 $0xFFFFFFF0, v4  }
0x29: {  	v3 =	vor.u32 v3, v4  }
0x2a: {  	v4 =	vperm.xlane v3, v0;
	_ =	sdelay $0x1  }
0x2b: {  	v3 =	vperm.xlane v3, v2;
	v4 =	vadd.s32 v1, v4;
	_ =	sdelay $0x1  }
0x2c: {  	v3 =	vadd.s32 v1, v3;
	_ =	sdelay $0x2  }
0x2d: {  	[tilespmem:s13], [sflag:$0x1] =	stream.indirect_vreg.gather [hbm4b:s1+s3], $0x80, v4, vm0, $0xb8;
	[tilespmem:$0x9080] =	vst v63  }
0x2e: {  	_ = 	snop  }
0x2f: {  	[tilespmem:s14], [sflag:$0x1] =	stream.indirect_vreg.gather [hbm4b:s1+s3], $0x80, v3, vm0, $0xb8;
	[tilespmem:$0x9080] =	vst v63  }
0x30: {  	v3 =	vld [tilespmem:$0x30];
	_ =	sdelay $0x4  }
0x31: {  	v4 =	vshll.u32 v3, $0x1  }
0x32: {  	v3 =	vand.u32 $0x7, v3;
	v4 =	vand.u32 $0xFFFFFFF0, v4  }
0x33: {  	v3 =	vor.u32 v3, v4  }
0x34: {  	v4 =	vperm.xlane v3, v0;
	_ =	sdelay $0x1  }
0x35: {  	v3 =	vperm.xlane v3, v2;
	v4 =	vadd.s32 v1, v4;
	_ =	sdelay $0x1  }
0x36: {  	v3 =	vadd.s32 v1, v3;
	_ =	sdelay $0x2  }
0x37: {  	[tilespmem:s15], [sflag:$0x1] =	stream.indirect_vreg.gather [hbm4b:s1+s3], $0x80, v4, vm0, $0xb8;
	[tilespmem:$0x9080] =	vst v63  }
0x38: {  	_ = 	snop  }
0x39: {  	[tilespmem:s16], [sflag:$0x1] =	stream.indirect_vreg.gather [hbm4b:s1+s3], $0x80, v3, vm0, $0xb8;
	[tilespmem:$0x9080] =	vst v63  }
0x3a: {  	v3 =	vld.msk [tilespmem:$0x40], $0xff;
	_ =	sdelay $0x4  }
0x3b: {  	v4 =	vshll.u32 v3, $0x1  }
0x3c: {  	v3 =	vand.u32 $0x7, v3;
	v4 =	vand.u32 $0xFFFFFFF0, v4  }
0x3d: {  	v3 =	vor.u32 v3, v4  }
0x3e: {  	v3 =	vperm.xlane v3, v0;
	_ =	sdelay $0x1  }
0x3f: {  	v3 =	vadd.s32 v1, v3;
	_ =	sdelay $0x4  }
0x40: {  	[tilespmem:s17], [sflag:$0x1] =	stream.indirect_vreg.gather [hbm4b:s1+s3], $0x80, v3, vm0, $0xb8;
	[tilespmem:$0x9080] =	vst v63  }
0x41: {  	_ = 	snop  }
0x42: {  	[tilespmem:s18], [sflag:$0x2] =	stream.linear.gather [hbm4b:s5+s3], $0x4800, $0x38;
	[tilespmem:$0x9080] =	vst v63  }
0x43: {  	_ =	swait.ge [sflag:s8], $0x4800  }
0x44: {  	[sflag:s8] =	ssyncset.done $0x0  }
0x45: {  	[sflag:s8] =	ssyncadd.s32 $0xFFFFB800  }
0x46: {  	_ =	swait.ge [sflag:s19], $0x4800  }
0x47: {  	s21 =	sand.u32 $0x7800, s3;
	s22 =	sand.u32 $0x380, s3;
	[sflag:s19] =	ssyncset.done $0x0  }
0x48: {  	s21 =	sor.u32 s22, s21;
	[sflag:s19] =	ssyncadd.s32 $0xFFFFB800  }
0x49: {  	v10 =	vld [tilespmem:s21+$0x80]  }
0x4a: {  	v11 =	vld [tilespmem:s21+$0x90]  }
0x4b: {  	v12 =	vld [tilespmem:s21+$0xA0]  }
0x4c: {  	v13 =	vld [tilespmem:s21+$0xB0]  }
0x4d: {  	v14 =	vld [tilespmem:s21+$0xC0]  }
0x4e: {  	v15 =	vld [tilespmem:s21+$0xD0]  }
0x4f: {  	v16 =	vld [tilespmem:s21+$0xE0]  }
0x50: {  	v17 =	vld [tilespmem:s21+$0xF0]  }
0x51: {  	v18 =	vld [tilespmem:s21+$0x480]  }
0x52: {  	v9 =	vld [tilespmem:s21+$0x490]  }
0x53: {  	v8 =	vld [tilespmem:s21+$0x4A0]  }
0x54: {  	v7 =	vld [tilespmem:s21+$0x4B0]  }
0x55: {  	v6 =	vld [tilespmem:s21+$0x4C0]  }
0x56: {  	v5 =	vld [tilespmem:s21+$0x4D0]  }
0x57: {  	v4 =	vld [tilespmem:s21+$0x4E0]  }
0x58: {  	v3 =	vld [tilespmem:s21+$0x4F0]  }
0x59: {  	v19 =	vld [tilespmem:s21+$0x4880]  }
0x5a: {  	v20 =	vld [tilespmem:s21+$0x4890]  }
0x5b: {  	v21 =	vld [tilespmem:s21+$0x48A0]  }
0x5c: {  	v22 =	vld [tilespmem:s21+$0x48B0]  }
0x5d: {  	v23 =	vld [tilespmem:s21+$0x48C0]  }
0x5e: {  	v10 =	vsub.f32 v19, v10;
	v19 =	vld [tilespmem:s21+$0x48D0]  }
0x5f: {  	v61 =	vld [tilespmem:s21+$0x48E0];
	v11 =	vsub.f32 v20, v11  }
0x60: {  	v62 =	vld [tilespmem:s21+$0x48F0];
	[tilespmem:s21+$0x4880] =	vst v10;
	v10 =	vsub.f32 v21, v12  }
0x61: {  	v63 =	vld [tilespmem:s21+$0x4C80];
	[tilespmem:s21+$0x4890] =	vst v11;
	v11 =	vsub.f32 v22, v13  }
0x62: {  	v13 =	vld [tilespmem:s21+$0x4C90];
	[tilespmem:s21+$0x48A0] =	vst v10;
	v10 =	vsub.f32 v23, v14  }
0x63: {  	v12 =	vld [tilespmem:s21+$0x4CA0];
	[tilespmem:s21+$0x48B0] =	vst v11;
	v11 =	vsub.f32 v19, v15  }
0x64: {  	v14 =	vsub.f32 v61, v16;
	[tilespmem:s21+$0x48C0] =	vst v10;
	v10 =	vld [tilespmem:s21+$0x4CB0]  }
0x65: {  	v16 =	vsub.f32 v62, v17;
	[tilespmem:s21+$0x48D0] =	vst v11;
	v11 =	vld [tilespmem:s21+$0x4CC0]  }
0x66: {  	s23 =	simm.s32 $0x100;
	s22 =	simm.s32 $0x80;
	v15 =	vsub.f32 v63, v18;
	[tilespmem:s21+$0x48E0] =	vst v14;
	v14 =	vld [tilespmem:s21+$0x4CD0]  }
.LBB2_2:
0x67: {  	s24 =	sand.u32 $0x7800, s23;
	s25 =	sand.u32 $0x380, s22;
	p0 =	sne.s32 s23, $0x4700;
	[tilespmem:s21+$0x48F0] =	vst v16;
	v9 =	vsub.f32 v13, v9;
	v13 =	vld [tilespmem:s21+$0x4CE0]  }
0x68: {  	s24 =	sor.u32 s25, s24;
	[tilespmem:s21+$0x4C80] =	vst v15;
	v8 =	vsub.f32 v12, v8;
	v12 =	vld [tilespmem:s21+$0x4CF0]  }
0x69: {  	v15 =	vld [tilespmem:s24+$0x80];
	[tilespmem:s21+$0x4C90] =	vst v9;
	v7 =	vsub.f32 v10, v7  }
0x6a: {  	v10 =	vld [tilespmem:s24+$0x90];
	[tilespmem:s21+$0x4CA0] =	vst v8;
	v6 =	vsub.f32 v11, v6  }
0x6b: {  	v11 =	vld [tilespmem:s24+$0xA0];
	[tilespmem:s21+$0x4CB0] =	vst v7;
	v5 =	vsub.f32 v14, v5  }
0x6c: {  	v14 =	vld [tilespmem:s24+$0xB0];
	[tilespmem:s21+$0x4CC0] =	vst v6;
	v4 =	vsub.f32 v13, v4  }
0x6d: {  	v13 =	vld [tilespmem:s24+$0xC0];
	[tilespmem:s21+$0x4CD0] =	vst v5;
	v3 =	vsub.f32 v12, v3  }
0x6e: {  	v12 =	vld [tilespmem:s24+$0xD0];
	[tilespmem:s21+$0x4CE0] =	vst v4  }
0x6f: {  	v16 =	vld [tilespmem:s24+$0xE0];
	[tilespmem:s21+$0x4CF0] =	vst v3;
	s21 =	smov.u32 s24  }
0x70: {  	v17 =	vld [tilespmem:s21+$0xF0]  }
0x71: {  	v18 =	vld [tilespmem:s21+$0x480]  }
0x72: {  	v9 =	vld [tilespmem:s21+$0x490]  }
0x73: {  	v8 =	vld [tilespmem:s21+$0x4A0]  }
0x74: {  	v7 =	vld [tilespmem:s21+$0x4B0]  }
0x75: {  	v6 =	vld [tilespmem:s21+$0x4C0]  }
0x76: {  	v5 =	vld [tilespmem:s21+$0x4D0]  }
0x77: {  	v4 =	vld [tilespmem:s21+$0x4E0]  }
0x78: {  	v3 =	vld [tilespmem:s21+$0x4F0]  }
0x79: {  	v19 =	vld [tilespmem:s21+$0x4880]  }
0x7a: {  	v20 =	vld [tilespmem:s21+$0x4890]  }
0x7b: {  	v21 =	vld [tilespmem:s21+$0x48A0]  }
0x7c: {  	v22 =	vld [tilespmem:s21+$0x48B0]  }
0x7d: {  	v23 =	vld [tilespmem:s21+$0x48C0]  }
0x7e: {  	v15 =	vsub.f32 v19, v15;
	v19 =	vld [tilespmem:s21+$0x48D0]  }
0x7f: {  	v10 =	vsub.f32 v20, v10;
	v20 =	vld [tilespmem:s21+$0x48E0]  }
0x80: {  	[tilespmem:s21+$0x4880] =	vst v15;
	v11 =	vsub.f32 v21, v11;
	v15 =	vld [tilespmem:s21+$0x48F0]  }
0x81: {  	[tilespmem:s21+$0x4890] =	vst v10;
	v10 =	vsub.f32 v22, v14;
	v14 =	vld [tilespmem:s21+$0x4C80]  }
.Ltmp0:
0x82: {  	[tilespmem:s21+$0x48A0] =	vst v11;
	v11 =	vsub.f32 v23, v13;
	v13 =	vld [tilespmem:s21+$0x4C90];
	(pc) =	sbr.rel @p0 .LBB2_2-.Ltmp0, $4  }
0x83: {  	[tilespmem:s21+$0x48B0] =	vst v10;
	v19 =	vsub.f32 v19, v12;
	v12 =	vld [tilespmem:s21+$0x4CA0]  }
0x84: {  	[tilespmem:s21+$0x48C0] =	vst v11;
	v20 =	vsub.f32 v20, v16;
	v10 =	vld [tilespmem:s21+$0x4CB0]  }
0x85: {  	[tilespmem:s21+$0x48D0] =	vst v19;
	v16 =	vsub.f32 v15, v17;
	v11 =	vld [tilespmem:s21+$0x4CC0]  }
0x86: {  	s22 =	sadd.s32 $0x80, s22;
	s23 =	sadd.s32 $0x100, s23;
	[tilespmem:s21+$0x48E0] =	vst v20;
	v15 =	vsub.f32 v14, v18;
	v14 =	vld [tilespmem:s21+$0x4CD0]  }
0x87: {  	[tilespmem:s21+$0x48F0] =	vst v16;
	v9 =	vsub.f32 v13, v9;
	v62 =	vld [tilespmem:s21+$0x4CE0]  }
0x88: {  	v63 =	vld [tilespmem:s21+$0x4CF0];
	[tilespmem:s21+$0x4C80] =	vst v15;
	v8 =	vsub.f32 v12, v8  }
0x89: {  	[tilespmem:s21+$0x4C90] =	vst v9;
	v7 =	vsub.f32 v10, v7  }
0x8a: {  	[tilespmem:s21+$0x4CA0] =	vst v8;
	v6 =	vsub.f32 v11, v6  }
0x8b: {  	[tilespmem:s21+$0x4CB0] =	vst v7;
	v5 =	vsub.f32 v14, v5  }
0x8c: {  	[tilespmem:s21+$0x4CC0] =	vst v6;
	v4 =	vsub.f32 v62, v4  }
0x8d: {  	s20 =	sadd.s32 $0x1, s20;
	v3 =	vsub.f32 v63, v3;
	[tilespmem:s21+$0x4CD0] =	vst v5  }
0x8e: {  	p0 =	sne.s32 s20, s7;
	[tilespmem:s21+$0x4CE0] =	vst v4  }
.Ltmp1:
0x8f: {  	[tilespmem:s21+$0x4CF0] =	vst v3;
	(pc) =	sbr.rel @p0 .LBB2_1-.Ltmp1, $4  }
0x90: {  	[hbm4b:s6+s3] =	stream.linear.scatter [tilespmem:s18], [sflag:$0x2], $0x4800, $0x38;
	[tilespmem:$0x9080] =	vst v63  }
0x91: {  	_ =	swait.ge [sflag:s8], $0x4800  }
0x92: {  	[sflag:s8] =	ssyncset.done $0x0  }
0x93: {  	[sflag:s8] =	ssyncadd.s32 $0xFFFFB800  }
0x94: {  	_ =	sfence.sel $0x180000  }
0x95: {  	[bflag:$0x0] =	sbarrier.arrive $0xFFFF  }
0x96: {  	p0 =	sne.s32 s0, $0x0;
	_ =	strace $0x90000047  }
0x97: {  	s0 =	sadd.s32 @!p0 $0x100000, s2;
	[bflag:$0x2] =	sbarrier.arrive $0xFFFF  }
0x98: {  	[sflag:s0] =	ssyncadd.tile.s32 @!p0 $0x1;
	_ =	shalt  }
.Lfunc_end2:
_tile_overlayer_lowered:
.L_overlay_start_2:
0x99: {  	(tag) =	ssettag $0x2  }
0x9a: {  	s0 =	rddreg [dreg:$0x0];
	s2 =	stileid.u32  }
0x9b: {  	s1 =	rddreg [dreg:$0x1];
	p0 =	sne.s32 s2, $0x0  }
0x9c: {  	s3 =	rddreg [dreg:$0x2];
	[bflag:$0x3] =	sbarrier.arrive $0xFFFF;
	s2 =	simm.s32 @!p0 $0x1C02  }
0x9d: {  	[timem:s3], [sflag:s2] =	dma.local @!p0 [hbm:s0], s1  }
0x9e: {  	s0 =	simm.s32 @!p0 $0x2  }
0x9f: {  	_ =	swait.ge @!p0 [sflag:s0], s1  }
0xa0: {  	s1 =	ssub.s32 @!p0 $0x0, s1;
	[sflag:s0] =	ssyncset.done @!p0 $0x0  }
0xa1: {  	[sflag:s0] =	ssyncadd.s32 @!p0 s1  }
0xa2: {  	[bflag:$0x3] =	sbarrier.arrive $0xFFFF  }
0xa3: {  	_ =	shalt  }

// kernel: kernel.9.cloned.1.call-start
scs
__scs_entry_jumppad:
0x0: {  	(pc) =	sbr.rel $0x88, $3  }
0x1: {  	(tag) =	ssettag $0x0;
	lr =	simm.s32 $0x1  }
0x2: {  	[smem:$0x3F9F] =	sst lr;
	_ =	strace $0xD0000000  }
0x3: {  	_ = 	snop  }
0x4: {  	_ = 	snop  }
0x5: {  	_ = 	snop  }
0x6: {  	_ = 	snop  }
0x7: {  	_ = 	snop  }
__scs_overlays_trampoline_lowered:
0x8: {  	[smem:$0x3FAE] =	sst s0  }
0x9: {  	[smem:$0x3FAF] =	sst s1  }
0xa: {  	[smem:$0x3FB0] =	sst s2  }
0xb: {  	[smem:$0x3FB1] =	sst s3  }
0xc: {  	[smem:$0x3FB2] =	sst s4  }
0xd: {  	[smem:$0x3FB3] =	sst s5  }
0xe: {  	[smem:$0x3FB4] =	sst s6  }
0xf: {  	[smem:$0x3FB5] =	sst s7  }
0x10: {  	[smem:$0x3FB6] =	sst s8  }
0x11: {  	[smem:$0x3FB7] =	sst s9;
	s0 =	simm.s32 @!p0 $0x0  }
0x12: {  	s1 =	sld [smem:$0x3F9D];
	s0 =	simm.s32 @p0 $0x1  }
0x13: {  	[smem:$0x3FB8] =	sst s0;
	s0 =	simm.s32 @!p1 $0x0  }
0x14: {  	s2 =	sld [smem:$0x3F9C];
	s0 =	simm.s32 @p1 $0x1  }
0x15: {  	[smem:$0x3FB9] =	sst s0;
	s0 =	simm.s32 @!p2 $0x0  }
0x16: {  	s3 =	sld [smem:$0x3FDB];
	s0 =	simm.s32 @p2 $0x1  }
0x17: {  	s4 =	simm.s32 $0x1BF5;
	[smem:$0x3FBB] =	sst s0  }
0x18: {  	s0 =	sld [smem:$0x3F9E];
	_ =	swait.ge [sflag:s4], $0x0  }
0x19: {  	s7 =	sld [smem:$0x3F9F]  }
0x1a: {  	s8 =	sadd.s32 $0xFFFFE003, lr  }
0x1b: {  	s9 =	sadd.s32 $0xFFFFFEF7, lr;
	s5 =	simm.s32 $0xFFFFFFFF;
	p2 =	slt.u32 s8, $0xFFFFF086  }
0x1c: {  	p1 =	slt.u32 s9, $0xF7A;
	s5 =	simm.s32 @!p2 $0x0  }
0x1d: {  	s5 =	simm.s32 @p1 $0x1;
	p0 =	seq.s32 s7, s2  }
0x1e: {  	s7 =	smul.u32 @!p0 $0xF7A, s2;
	p2 =	seq.s32 @!p0 s5, $0x0  }
0x1f: {  	s9 =	smul.u32 $0xF7A, s1;
	s8 =	simm.s32 @!p0 $0x1BF5;
	p2 =	por !p2, p0  }
0x20: {  	[sflag:s8] =	ssyncset.s32 @!p0 $0xFFFFF086;
	s6 =	sadd.s32 @!p0 s3, s7;
	s7 =	simm.s32 @!p0 $0x108  }
0x21: {  	s3 =	sadd.s32 s3, s9;
	s6 =	sadd.s32 @!p0 $0x88, s6;
	s7 =	simm.s32 @p2 $0x1082  }
0x22: {  	[simem:s7], [sflag:s8] =	dma.local @!p0 [hbm:s6], $0xF7A  }
0x23: {  	s9 =	sor.u32 $0xD0000000, s2;
	s6 =	simm.s32 $0x108;
	_ =	swait.ge @!p0 [sflag:s8], $0x0  }
0x24: {  	s3 =	sadd.s32 $0x88, s3;
	s6 =	simm.s32 @!p1 $0x1082;
	[sflag:s4] =	ssyncset.s32 $0xFFFFF086  }
0x25: {  	[simem:s6], [sflag:s4] =	dma.local [hbm:s3], $0xF7A  }
0x26: {  	[smem:$0x3F9F] =	sst s1;
	(tag) =	ssettag s2;
	_ =	strace s9  }
0x27: {  	s1 =	sld [smem:$0x3FAF]  }
0x28: {  	s2 =	sld [smem:$0x3FB0]  }
0x29: {  	s4 =	sld [smem:$0x3FB2]  }
0x2a: {  	p0 =	seq.s32 s5, $0x0;
	s5 =	sld [smem:$0x3FB3]  }
0x2b: {  	s6 =	sld [smem:$0x3FB4]  }
0x2c: {  	s7 =	sld [smem:$0x3FB5]  }
0x2d: {  	s3 =	simm.s32 $0x108;
	s8 =	sld [smem:$0x3FB6]  }
0x2e: {  	s3 =	simm.s32 @!p0 $0x1082;
	s9 =	sld [smem:$0x3FB7]  }
0x2f: {  	lr =	sadd.s32 s0, s3;
	s0 =	sld [smem:$0x3FAE]  }
0x30: {  	s3 =	sld [smem:$0x3FB1]  }
0x31: {  	[smem:$0x3FBA] =	sst s10  }
0x32: {  	s10 =	sld [smem:$0x3FB8];
	_ =	sdelay $0x3  }
0x33: {  	p0 =	seq.s32 s10, $0x1;
	s10 =	sld [smem:$0x3FBA];
	_ =	sdelay $0x3  }
0x34: {  	[smem:$0x3FBA] =	sst s10  }
0x35: {  	s10 =	sld [smem:$0x3FB9];
	_ =	sdelay $0x3  }
0x36: {  	p1 =	seq.s32 s10, $0x1;
	s10 =	sld [smem:$0x3FBA];
	_ =	sdelay $0x3  }
0x37: {  	[smem:$0x3FBA] =	sst s10  }
0x38: {  	s10 =	sld [smem:$0x3FBB]  }
0x39: {  	_ = 	snop;
	(pc) =	sbr.ind lr, $3  }
0x3a: {  	_ = 	snop  }
0x3b: {  	_ = 	snop  }
0x3c: {  	p2 =	seq.s32 s10, $0x1;
	s10 =	sld [smem:$0x3FBA]  }
0x3d: {  	_ =	shalt  }
0x3e: {  	_ =	shalt  }
0x3f: {  	_ =	shalt  }
0x40: {  	_ =	shalt  }
0x41: {  	_ =	shalt  }
0x42: {  	_ =	shalt  }
0x43: {  	_ =	shalt  }
0x44: {  	_ =	shalt  }
0x45: {  	_ =	shalt  }
0x46: {  	_ =	shalt  }
0x47: {  	_ =	shalt  }
0x48: {  	_ =	shalt  }
0x49: {  	_ =	shalt  }
0x4a: {  	_ =	shalt  }
0x4b: {  	_ =	shalt  }
0x4c: {  	_ =	shalt  }
0x4d: {  	_ =	shalt  }
0x4e: {  	_ =	shalt  }
0x4f: {  	_ =	shalt  }
0x50: {  	_ =	shalt  }
0x51: {  	_ =	shalt  }
0x52: {  	_ =	shalt  }
0x53: {  	_ =	shalt  }
0x54: {  	_ =	shalt  }
0x55: {  	_ =	shalt  }
0x56: {  	_ =	shalt  }
0x57: {  	_ =	shalt  }
0x58: {  	_ =	shalt  }
0x59: {  	_ =	shalt  }
0x5a: {  	_ =	shalt  }
0x5b: {  	_ =	shalt  }
0x5c: {  	_ =	shalt  }
0x5d: {  	_ =	shalt  }
0x5e: {  	_ =	shalt  }
0x5f: {  	_ =	shalt  }
0x60: {  	_ =	shalt  }
0x61: {  	_ =	shalt  }
0x62: {  	_ =	shalt  }
0x63: {  	_ =	shalt  }
0x64: {  	_ =	shalt  }
0x65: {  	_ =	shalt  }
0x66: {  	_ =	shalt  }
0x67: {  	_ =	shalt  }
0x68: {  	_ =	shalt  }
0x69: {  	_ =	shalt  }
0x6a: {  	_ =	shalt  }
0x6b: {  	_ =	shalt  }
0x6c: {  	_ =	shalt  }
0x6d: {  	_ =	shalt  }
0x6e: {  	_ =	shalt  }
0x6f: {  	_ =	shalt  }
0x70: {  	_ =	shalt  }
0x71: {  	_ =	shalt  }
0x72: {  	_ =	shalt  }
0x73: {  	_ =	shalt  }
0x74: {  	_ =	shalt  }
0x75: {  	_ =	shalt  }
0x76: {  	_ =	shalt  }
0x77: {  	_ =	shalt  }
0x78: {  	_ =	shalt  }
0x79: {  	_ =	shalt  }
0x7a: {  	_ =	shalt  }
0x7b: {  	_ =	shalt  }
0x7c: {  	_ =	shalt  }
0x7d: {  	_ =	shalt  }
0x7e: {  	_ =	shalt  }
0x7f: {  	_ =	shalt  }
0x80: {  	_ =	shalt  }
0x81: {  	_ =	shalt  }
0x82: {  	_ =	shalt  }
0x83: {  	_ =	shalt  }
0x84: {  	_ =	shalt  }
0x85: {  	_ =	shalt  }
0x86: {  	_ =	shalt  }
0x87: {  	_ =	shalt  }
.Lfunc_end0:
.L_simem_size_0:
called_computation.1_lowered:
.L_overlay_start_0:
0x88: {  	s2 =	sld [smem:$0x3FD9]  }
0x89: {  	s3 =	sld [smem:$0x3FFE];
	_ =	sdelay $0x1  }
0x8a: {  	s1 =	srdreg.scid  }
0x8b: {  	s0 =	sand.u32 $0x1, s1  }
0x8c: {  	s14 =	sshll.u32 s0, $0xA;
	s2 =	sadd.s32 s3, s2  }
0x8d: {  	s2 =	sadd.s32 s2, s14  }
0x8e: {  	[smem:$0x3FC6] =	sst s2  }
0x8f: {  	_ = 	snop  }
0x90: {  	s2 =	sld [smem:$0x3FD0];
	_ =	sdelay $0x2  }
0x91: {  	s4 =	simm.s32 $0xA;
	s5 =	simm.s32 $0x10;
	s15 =	sld [smem:$0x3FC9]  }
0x92: {  	[smem:s5], [sflag:s4] =	dma.local [hbm:s2], $0x1  }
0x93: {  	_ =	swait.eq [sflag:s4], $0x1  }
0x94: {  	[sflag:s4] =	ssyncset.done $0x0  }
0x95: {  	[sflag:s4] =	ssyncadd.s32 $0xFFFFFFFF  }
0x96: {  	s16 =	sld [smem:$0x11];
	(tm) =	ssettm $0x1  }
0x97: {  	s17 =	sld [smem:$0x3FFB];
	_ =	sdelay $0x3  }
0x98: {  	_ =	strace s17  }
0x99: {  	s4 =	sld [smem:$0x3FFC];
	_ =	sdelay $0x3  }
0x9a: {  	_ =	strace s4  }
0x9b: {  	s4 =	sld [smem:$0x3FFD];
	_ =	sdelay $0x3  }
0x9c: {  	_ =	strace s4  }
0x9d: {  	_ =	strace $0x8FFFFFFF  }
0x9e: {  	s18 =	sld [smem:$0x3FDB];
	_ =	sdelay $0x1  }
0x9f: {  	s19 =	simm.s32 $_scs_section_size  }
0xa0: {  	s6 =	simm.s32 $_size__tile_overlayer_lowered;
	s7 =	simm.s32 $_tile_overlayer_lowered  }
0xa1: {  	s22 =	simm.s32 $0x1BFF;
	s21 =	sshll.u32 s7, $0x1;
	s4 =	sadd.s32 s19, s18  }
0xa2: {  	s8 =	simm.s32 $0x0;
	s20 =	sshll.u32 s6, $0x1;
	s6 =	sadd.s32 s21, s4  }
0xa3: {  	[timem:s8], [sflag:s22] =	dma.local [hbm:s6], s20  }
0xa4: {  	_ =	swait.ge [sflag:s22], s20  }
0xa5: {  	s5 =	ssub.s32 $0x0, s20;
	[sflag:s22] =	ssyncset.done $0x0  }
0xa6: {  	[sflag:s22] =	ssyncadd.s32 s5;
	_ =	sdelay $0x1  }
0xa7: {  	s23 =	simm.s32 $0x1B8B  }
0xa8: {  	_ =	swait.ge [sflag:s23], $0x1  }
0xa9: {  	[sflag:s23] =	ssyncset.done $0x0  }
0xaa: {  	s25 =	simm.s32 $0x1B8E;
	s24 =	sld [smem:$0x3FFE];
	[sflag:s23] =	ssyncadd.s32 $0xFFFFFFFF  }
0xab: {  	s26 =	simm.s32 $execute0_lowered;
	[smem:$0x3FD2] =	sst s25  }
0xac: {  	s6 =	sshll.u32 s26, $0x1;
	_ =	strace $0x80000049;
	[dreg:$0x1] =	wrdreg $0xFFFFFFFF  }
0xad: {  	s28 =	simm.s32 $_size_execute0_lowered;
	s4 =	sadd.s32 s4, s6;
	[dreg:$0x0] =	wrdreg $0x0  }
0xae: {  	s6 =	sshll.u32 s28, $0x1;
	[dreg:$0x2] =	wrdreg s4  }
0xaf: {  	[dreg:$0x3] =	wrdreg s6  }
0xb0: {  	[dreg:$0x4] =	wrdreg $0xC0  }
0xb1: {  	_ =	task [dreg:s8], $0x5FFFF  }
0xb2: {  	[dreg:$0x1] =	wrdreg $0xFFFFFFFF  }
0xb3: {  	[dreg:$0x0] =	wrdreg $0x60  }
0xb4: {  	[dreg:$0x2] =	wrdreg s24  }
0xb5: {  	[dreg:$0x3] =	wrdreg s15  }
0xb6: {  	[dreg:$0x4] =	wrdreg s16  }
0xb7: {  	[dreg:$0x5] =	wrdreg $0x9  }
0xb8: {  	_ =	task.clear_ibuf [dreg:s8], $0x6FFFF;
	_ =	strace $0x90000049  }
0xb9: {  	s29 =	simm.s32 $0x9;
	_ =	strace $0x8000004B  }
0xba: {  	_ =	swait.ge [sflag:s29], $0x1  }
0xbb: {  	[sflag:s29] =	ssyncadd.s32 $0xFFFFFFFF  }
0xbc: {  	_ =	strace $0x9000004B  }
0xbd: {  	_ =	sfence  }
0xbe: {  	s30 =	sld [smem:$0x0];
	_ =	sdelay $0x2  }
0xbf: {  	s31 =	sshll.u32 s1, $0xD;
	s1 =	sshrl.u32 s1, $0x2  }
0xc0: {  	s3 =	sand.u32 $0x4000, s31;
	s1 =	sadd.s32 s1, s30  }
0xc1: {  	s0 =	sor.u32 s3, s0;
	s1 =	sshll.u32 s1, $0x11  }
0xc2: {  	s0 =	sor.u32 s1, s0  }
0xc3: {  	s0 =	sadd.s32 $0x8F2B, s0  }
0xc4: {  	[sflag:s0] =	ssyncadd.remote.s32 $0x1  }
0xc5: {  	_ =	sfence.sel $0xFFFF  }
0xc6: {  	[dreg:$0x0] =	wrdreg $0xFFFFFFFF;
	(pc) =	sbr.abs _section_cstart, $3  }
0xc7: {  	[dreg:$0x1] =	wrdreg $0xFFFFFFFF  }
0xc8: {  	_ =	task.clear_ibuf [dreg:s8], $0x2FFFF;
	_ =	strace $0x9FFFFFFF  }
0xc9: {  	(tm) =	ssettm $0x7FFFFFFF  }
tec
execute0_lowered:
.L_overlay_start_1:
0x0: {  	(tag) =	ssettag $0x1  }
0x1: {  	s4 =	rddreg [dreg:$0x0]  }
0x2: {  	s1 =	srdreg.scid;
	s6 =	rddreg [dreg:$0x1]  }
0x3: {  	s0 =	stileid.u32;
	s7 =	rddreg [dreg:$0x2]  }
0x4: {  	s2 =	simm.s32 $0x0;
	s12 =	simm.s32 $0x1080;
	s13 =	simm.s32 $0x1880  }
0x5: {  	s14 =	simm.s32 $0x2080;
	s15 =	simm.s32 $0x2880;
	s16 =	simm.s32 $0x3080  }
0x6: {  	s17 =	simm.s32 $0x3880;
	s18 =	simm.s32 $0x4080;
	s19 =	simm.s32 $0x4880  }
0x7: {  	s20 =	simm.s32 $0x9080;
	s3 =	sand.u32 $0x1, s1;
	s31 =	sshll.u32 s0, $0x1  }
0x8: {  	s21 =	simm.s32 $0x1;
	s22 =	simm.s32 $0x0;
	s5 =	sor.u32 s3, s31  }
0x9: {  	s1 =	rddreg [dreg:$0x3];
	s9 =	ssub.s32 $0x2, s3;
	s8 =	smul.u32 $0x900, s5  }
0xa: {  	[smem:$0x7FF] =	sst s2;
	s5 =	smul.u32 $0x9, s5;
	s10 =	sshrl.u32 s9, $0x1  }
0xb: {  	_ =	strace $0x8000004A;
	s3 =	sadd.s32 $0x40000, s4;
	s9 =	ssub.s32 s9, s10  }
0xc: {  	v2 =	vlaneseq.u32;
	s10 =	simm.s32 $0x80;
	s11 =	sadd.s32 s8, s4;
	s4 =	sadd.s32 s4, s5  }
0xd: {  	vm0 =	vmmov $0xffff;
	v1 =	vshrl.u32 v2, $0x3;
	s6 =	sadd.s32 s6, s8;
	s7 =	sadd.s32 s7, s8;
	s8 =	smax.u32 s9, $0x1  }
0xe: {  	v0 =	vand.u32 $0x7, v2;
	v2 =	vor.u32 $0x8, v2;
	v1 =	vmul.u32 $0x8, v1;
	s9 =	simm.s32 $0x2;
	s5 =	sadd.s32 $0x80000, s11;
	s11 =	simm.s32 $0x880  }
.LBB2_1:
0xf: {  	[tilespmem:s2], [sflag:$0x2] =	stream.linear.gather [hbm4b:s4+s2], $0x48, $0x38;
	[tilespmem:$0xD880] =	vst v63  }
0x10: {  	_ =	swait.ge [sflag:s9], $0x48  }
0x11: {  	[sflag:s9] =	ssyncset.done $0x0  }
0x12: {  	[sflag:s9] =	ssyncadd.s32 $0xFFFFFFB8  }
0x13: {  	v3 =	vld [tilespmem:$0x0];
	_ =	sdelay $0x4  }
0x14: {  	v4 =	vshll.u32 v3, $0x1  }
0x15: {  	v3 =	vand.u32 $0x7, v3;
	v4 =	vand.u32 $0xFFFFFFF0, v4  }
0x16: {  	v3 =	vor.u32 v3, v4  }
0x17: {  	v4 =	vperm.xlane v3, v0;
	_ =	sdelay $0x1  }
0x18: {  	v3 =	vperm.xlane v3, v2;
	v4 =	vadd.s32 v1, v4;
	_ =	sdelay $0x1  }
0x19: {  	v3 =	vadd.s32 v1, v3;
	_ =	sdelay $0x2  }
0x1a: {  	[tilespmem:s10], [sflag:$0x1] =	stream.indirect_vreg.gather [hbm4b:s3+s2], $0x80, v4, vm0, $0xb8;
	[tilespmem:$0xD880] =	vst v63  }
0x1b: {  	_ = 	snop  }
0x1c: {  	[tilespmem:s11], [sflag:$0x1] =	stream.indirect_vreg.gather [hbm4b:s3+s2], $0x80, v3, vm0, $0xb8;
	[tilespmem:$0xD880] =	vst v63  }
0x1d: {  	v3 =	vld [tilespmem:$0x10];
	_ =	sdelay $0x4  }
0x1e: {  	v4 =	vshll.u32 v3, $0x1  }
0x1f: {  	v3 =	vand.u32 $0x7, v3;
	v4 =	vand.u32 $0xFFFFFFF0, v4  }
0x20: {  	v3 =	vor.u32 v3, v4  }
0x21: {  	v4 =	vperm.xlane v3, v0;
	_ =	sdelay $0x1  }
0x22: {  	v3 =	vperm.xlane v3, v2;
	v4 =	vadd.s32 v1, v4;
	_ =	sdelay $0x1  }
0x23: {  	v3 =	vadd.s32 v1, v3;
	_ =	sdelay $0x2  }
0x24: {  	[tilespmem:s12], [sflag:$0x1] =	stream.indirect_vreg.gather [hbm4b:s3+s2], $0x80, v4, vm0, $0xb8;
	[tilespmem:$0xD880] =	vst v63  }
0x25: {  	_ = 	snop  }
0x26: {  	[tilespmem:s13], [sflag:$0x1] =	stream.indirect_vreg.gather [hbm4b:s3+s2], $0x80, v3, vm0, $0xb8;
	[tilespmem:$0xD880] =	vst v63  }
0x27: {  	v3 =	vld [tilespmem:$0x20];
	_ =	sdelay $0x4  }
0x28: {  	v4 =	vshll.u32 v3, $0x1  }
0x29: {  	v3 =	vand.u32 $0x7, v3;
	v4 =	vand.u32 $0xFFFFFFF0, v4  }
0x2a: {  	v3 =	vor.u32 v3, v4  }
0x2b: {  	v4 =	vperm.xlane v3, v0;
	_ =	sdelay $0x1  }
0x2c: {  	v3 =	vperm.xlane v3, v2;
	v4 =	vadd.s32 v1, v4;
	_ =	sdelay $0x1  }
0x2d: {  	v3 =	vadd.s32 v1, v3;
	_ =	sdelay $0x2  }
0x2e: {  	[tilespmem:s14], [sflag:$0x1] =	stream.indirect_vreg.gather [hbm4b:s3+s2], $0x80, v4, vm0, $0xb8;
	[tilespmem:$0xD880] =	vst v63  }
0x2f: {  	_ = 	snop  }
0x30: {  	[tilespmem:s15], [sflag:$0x1] =	stream.indirect_vreg.gather [hbm4b:s3+s2], $0x80, v3, vm0, $0xb8;
	[tilespmem:$0xD880] =	vst v63  }
0x31: {  	v3 =	vld [tilespmem:$0x30];
	_ =	sdelay $0x4  }
0x32: {  	v4 =	vshll.u32 v3, $0x1  }
0x33: {  	v3 =	vand.u32 $0x7, v3;
	v4 =	vand.u32 $0xFFFFFFF0, v4  }
0x34: {  	v3 =	vor.u32 v3, v4  }
0x35: {  	v4 =	vperm.xlane v3, v0;
	_ =	sdelay $0x1  }
0x36: {  	v3 =	vperm.xlane v3, v2;
	v4 =	vadd.s32 v1, v4;
	_ =	sdelay $0x1  }
0x37: {  	v3 =	vadd.s32 v1, v3;
	_ =	sdelay $0x2  }
0x38: {  	[tilespmem:s16], [sflag:$0x1] =	stream.indirect_vreg.gather [hbm4b:s3+s2], $0x80, v4, vm0, $0xb8;
	[tilespmem:$0xD880] =	vst v63  }
0x39: {  	_ = 	snop  }
0x3a: {  	[tilespmem:s17], [sflag:$0x1] =	stream.indirect_vreg.gather [hbm4b:s3+s2], $0x80, v3, vm0, $0xb8;
	[tilespmem:$0xD880] =	vst v63  }
0x3b: {  	v3 =	vld.msk [tilespmem:$0x40], $0xff;
	_ =	sdelay $0x4  }
0x3c: {  	v4 =	vshll.u32 v3, $0x1  }
0x3d: {  	v3 =	vand.u32 $0x7, v3;
	v4 =	vand.u32 $0xFFFFFFF0, v4  }
0x3e: {  	v3 =	vor.u32 v3, v4  }
0x3f: {  	v3 =	vperm.xlane v3, v0;
	_ =	sdelay $0x1  }
0x40: {  	v3 =	vadd.s32 v1, v3;
	_ =	sdelay $0x4  }
0x41: {  	[tilespmem:s18], [sflag:$0x1] =	stream.indirect_vreg.gather [hbm4b:s3+s2], $0x80, v3, vm0, $0xb8;
	[tilespmem:$0xD880] =	vst v63  }
0x42: {  	_ = 	snop  }
0x43: {  	[tilespmem:s19], [sflag:$0x2] =	stream.linear.gather [hbm4b:s5+s2], $0x4800, $0x38;
	[tilespmem:$0xD880] =	vst v63  }
0x44: {  	_ =	swait.ge [sflag:s9], $0x4800  }
0x45: {  	[sflag:s9] =	ssyncset.done $0x0  }
0x46: {  	[sflag:s9] =	ssyncadd.s32 $0xFFFFB800  }
0x47: {  	[tilespmem:s20], [sflag:$0x2] =	stream.linear.gather [hbm4b:s6+s2], $0x4800, $0x38;
	[tilespmem:$0xD880] =	vst v63  }
0x48: {  	_ =	swait.ge [sflag:s9], $0x4800  }
0x49: {  	[sflag:s9] =	ssyncset.done $0x0  }
0x4a: {  	[sflag:s9] =	ssyncadd.s32 $0xFFFFB800  }
0x4b: {  	_ =	swait.ge [sflag:s21], $0x4800  }
0x4c: {  	s23 =	sand.u32 $0x7800, s2;
	s24 =	sand.u32 $0x380, s2;
	[sflag:s21] =	ssyncset.done $0x0  }
0x4d: {  	s23 =	sor.u32 s24, s23;
	[sflag:s21] =	ssyncadd.s32 $0xFFFFB800  }
0x4e: {  	v17 =	vld [tilespmem:s23+$0x9080]  }
0x4f: {  	v18 =	vld [tilespmem:s23+$0x9090]  }
0x50: {  	v19 =	vld [tilespmem:s23+$0x90A0]  }
0x51: {  	v21 =	vld [tilespmem:s23+$0x90B0]  }
0x52: {  	v22 =	vld [tilespmem:s23+$0x90C0]  }
0x53: {  	v23 =	vld [tilespmem:s23+$0x90D0]  }
0x54: {  	v24 =	vld [tilespmem:s23+$0x90E0]  }
0x55: {  	v9 =	vld [tilespmem:s23+$0x90F0]  }
0x56: {  	v8 =	vld [tilespmem:s23+$0x9480]  }
0x57: {  	v7 =	vld [tilespmem:s23+$0x9490]  }
0x58: {  	v6 =	vld [tilespmem:s23+$0x94A0]  }
0x59: {  	v5 =	vld [tilespmem:s23+$0x94B0]  }
0x5a: {  	v4 =	vld [tilespmem:s23+$0x94C0]  }
0x5b: {  	v3 =	vld [tilespmem:s23+$0x94D0]  }
0x5c: {  	v20 =	vld [tilespmem:s23+$0x80]  }
0x5d: {  	v25 =	vld [tilespmem:s23+$0x90]  }
0x5e: {  	v26 =	vld [tilespmem:s23+$0xA0]  }
0x5f: {  	v27 =	vld [tilespmem:s23+$0xB0]  }
0x60: {  	v28 =	vld [tilespmem:s23+$0xC0]  }
0x61: {  	v29 =	vld [tilespmem:s23+$0xD0]  }
0x62: {  	v30 =	vld [tilespmem:s23+$0xE0]  }
0x63: {  	v31 =	vld [tilespmem:s23+$0xF0]  }
0x64: {  	v32 =	vld [tilespmem:s23+$0x480]  }
0x65: {  	v16 =	vld [tilespmem:s23+$0x490]  }
0x66: {  	v15 =	vld [tilespmem:s23+$0x4A0]  }
0x67: {  	v14 =	vld [tilespmem:s23+$0x4B0]  }
0x68: {  	v13 =	vld [tilespmem:s23+$0x4C0]  }
0x69: {  	v12 =	vld [tilespmem:s23+$0x4D0]  }
0x6a: {  	v11 =	vld [tilespmem:s23+$0x4E0]  }
0x6b: {  	v10 =	vld [tilespmem:s23+$0x4F0]  }
0x6c: {  	v33 =	vld [tilespmem:s23+$0x4880]  }
0x6d: {  	v34 =	vld [tilespmem:s23+$0x4890]  }
0x6e: {  	v35 =	vld [tilespmem:s23+$0x48A0]  }
0x6f: {  	v36 =	vld [tilespmem:s23+$0x48B0]  }
0x70: {  	v37 =	vld [tilespmem:s23+$0x48C0]  }
0x71: {  	v60 =	vld [tilespmem:s23+$0x48D0];
	v20 =	vsub.f32 v33, v20  }
0x72: {  	v61 =	vld [tilespmem:s23+$0x48E0];
	v25 =	vsub.f32 v34, v25  }
0x73: {  	v17 =	vsub.f32 v17, v20;
	v20 =	vsub.f32 v35, v26;
	v26 =	vld [tilespmem:s23+$0x48F0]  }
0x74: {  	v18 =	vsub.f32 v18, v25;
	v25 =	vsub.f32 v36, v27;
	v27 =	vld [tilespmem:s23+$0x4C80]  }
0x75: {  	[tilespmem:s23+$0x4880] =	vst v17;
	v17 =	vsub.f32 v19, v20;
	v19 =	vsub.f32 v37, v28;
	v20 =	vld [tilespmem:s23+$0x4C90]  }
0x76: {  	v62 =	vsub.f32 v60, v29;
	[tilespmem:s23+$0x4890] =	vst v18;
	v25 =	vsub.f32 v21, v25;
	v21 =	vld [tilespmem:s23+$0x4CA0]  }
0x77: {  	v63 =	vsub.f32 v61, v30;
	v18 =	vld [tilespmem:s23+$0x4CB0];
	[tilespmem:s23+$0x48A0] =	vst v17;
	v17 =	vsub.f32 v22, v19  }
0x78: {  	[tilespmem:s23+$0x48B0] =	vst v25;
	v22 =	vsub.f32 v23, v62;
	v19 =	vld [tilespmem:s23+$0x4CC0];
	v23 =	vsub.f32 v26, v31  }
0x79: {  	s25 =	simm.s32 $0x0;
	s24 =	simm.s32 $0x100;
	v25 =	vsub.f32 v24, v63;
	v24 =	vsub.f32 v27, v32;
	[tilespmem:s23+$0x48C0] =	vst v17;
	v17 =	vld [tilespmem:s23+$0x4CD0]  }
.LBB2_2:
0x7a: {  	p0 =	sne.s32 s24, $0x4700;
	[tilespmem:s23+$0x48D0] =	vst v22;
	v9 =	vsub.f32 v9, v23;
	v16 =	vsub.f32 v20, v16;
	v20 =	vld [tilespmem:s23+$0x4CE0]  }
0x7b: {  	s25 =	sadd.s32 $0x80, s25;
	[tilespmem:s23+$0x48E0] =	vst v25;
	v8 =	vsub.f32 v8, v24;
	v15 =	vsub.f32 v21, v15;
	v21 =	vld [tilespmem:s23+$0x4CF0]  }
0x7c: {  	s26 =	sand.u32 $0x7800, s24;
	s28 =	sand.u32 $0x380, s25;
	[tilespmem:s23+$0x48F0] =	vst v9;
	v7 =	vsub.f32 v7, v16;
	v9 =	vsub.f32 v18, v14;
	v14 =	vld [tilespmem:s23+$0x94E0]  }
0x7d: {  	s26 =	sor.u32 s28, s26;
	[tilespmem:s23+$0x4C80] =	vst v8;
	v6 =	vsub.f32 v6, v15;
	v8 =	vsub.f32 v19, v13;
	v13 =	vld [tilespmem:s23+$0x94F0]  }
0x7e: {  	v18 =	vld [tilespmem:s26+$0x9080];
	[tilespmem:s23+$0x4C90] =	vst v7;
	v5 =	vsub.f32 v5, v9;
	v7 =	vsub.f32 v17, v12  }
0x7f: {  	v17 =	vld [tilespmem:s26+$0x9090];
	[tilespmem:s23+$0x4CA0] =	vst v6;
	v4 =	vsub.f32 v4, v8;
	v6 =	vsub.f32 v20, v11  }
0x80: {  	v19 =	vld [tilespmem:s26+$0x90A0];
	[tilespmem:s23+$0x4CB0] =	vst v5;
	v3 =	vsub.f32 v3, v7;
	v5 =	vsub.f32 v21, v10  }
0x81: {  	v21 =	vld [tilespmem:s26+$0x90B0];
	[tilespmem:s23+$0x4CC0] =	vst v4;
	v4 =	vsub.f32 v14, v6  }
0x82: {  	v22 =	vld [tilespmem:s26+$0x90C0];
	[tilespmem:s23+$0x4CD0] =	vst v3;
	v3 =	vsub.f32 v13, v5  }
0x83: {  	v23 =	vld [tilespmem:s26+$0x90D0];
	[tilespmem:s23+$0x4CE0] =	vst v4  }
0x84: {  	v24 =	vld [tilespmem:s26+$0x90E0];
	[tilespmem:s23+$0x4CF0] =	vst v3;
	s23 =	smov.u32 s26  }
0x85: {  	v9 =	vld [tilespmem:s23+$0x90F0]  }
0x86: {  	v8 =	vld [tilespmem:s23+$0x9480]  }
0x87: {  	v7 =	vld [tilespmem:s23+$0x9490]  }
0x88: {  	v6 =	vld [tilespmem:s23+$0x94A0]  }
0x89: {  	v5 =	vld [tilespmem:s23+$0x94B0]  }
0x8a: {  	v4 =	vld [tilespmem:s23+$0x94C0]  }
0x8b: {  	v3 =	vld [tilespmem:s23+$0x94D0]  }
0x8c: {  	v20 =	vld [tilespmem:s23+$0x80]  }
0x8d: {  	v25 =	vld [tilespmem:s23+$0x90]  }
0x8e: {  	v26 =	vld [tilespmem:s23+$0xA0]  }
0x8f: {  	v27 =	vld [tilespmem:s23+$0xB0]  }
0x90: {  	v28 =	vld [tilespmem:s23+$0xC0]  }
0x91: {  	v29 =	vld [tilespmem:s23+$0xD0]  }
0x92: {  	v30 =	vld [tilespmem:s23+$0xE0]  }
0x93: {  	v31 =	vld [tilespmem:s23+$0xF0]  }
0x94: {  	v32 =	vld [tilespmem:s23+$0x480]  }
0x95: {  	v16 =	vld [tilespmem:s23+$0x490]  }
0x96: {  	v15 =	vld [tilespmem:s23+$0x4A0]  }
0x97: {  	v14 =	vld [tilespmem:s23+$0x4B0]  }
0x98: {  	v13 =	vld [tilespmem:s23+$0x4C0]  }
0x99: {  	v12 =	vld [tilespmem:s23+$0x4D0]  }
0x9a: {  	v11 =	vld [tilespmem:s23+$0x4E0]  }
0x9b: {  	v10 =	vld [tilespmem:s23+$0x4F0]  }
0x9c: {  	v33 =	vld [tilespmem:s23+$0x4880]  }
0x9d: {  	v34 =	vld [tilespmem:s23+$0x4890]  }
0x9e: {  	v35 =	vld [tilespmem:s23+$0x48A0]  }
0x9f: {  	v36 =	vld [tilespmem:s23+$0x48B0]  }
0xa0: {  	v37 =	vld [tilespmem:s23+$0x48C0]  }
0xa1: {  	v20 =	vsub.f32 v33, v20;
	v33 =	vld [tilespmem:s23+$0x48D0]  }
0xa2: {  	v25 =	vsub.f32 v34, v25;
	v34 =	vld [tilespmem:s23+$0x48E0]  }
0xa3: {  	v18 =	vsub.f32 v18, v20;
	v20 =	vsub.f32 v35, v26;
	v26 =	vld [tilespmem:s23+$0x48F0]  }
0xa4: {  	v17 =	vsub.f32 v17, v25;
	v25 =	vsub.f32 v36, v27;
	v27 =	vld [tilespmem:s23+$0x4C80]  }
.Ltmp0:
0xa5: {  	[tilespmem:s23+$0x4880] =	vst v18;
	v18 =	vsub.f32 v19, v20;
	v19 =	vsub.f32 v37, v28;
	v20 =	vld [tilespmem:s23+$0x4C90];
	(pc) =	sbr.rel @p0 .LBB2_2-.Ltmp0, $4  }
0xa6: {  	[tilespmem:s23+$0x4890] =	vst v17;
	v17 =	vsub.f32 v21, v25;
	v25 =	vsub.f32 v33, v29;
	v21 =	vld [tilespmem:s23+$0x4CA0]  }
0xa7: {  	[tilespmem:s23+$0x48A0] =	vst v18;
	v28 =	vsub.f32 v22, v19;
	v29 =	vsub.f32 v34, v30;
	v18 =	vld [tilespmem:s23+$0x4CB0]  }
0xa8: {  	[tilespmem:s23+$0x48B0] =	vst v17;
	v22 =	vsub.f32 v23, v25;
	v23 =	vsub.f32 v26, v31;
	v19 =	vld [tilespmem:s23+$0x4CC0]  }
0xa9: {  	s24 =	sadd.s32 $0x100, s24;
	[tilespmem:s23+$0x48C0] =	vst v28;
	v25 =	vsub.f32 v24, v29;
	v24 =	vsub.f32 v27, v32;
	v17 =	vld [tilespmem:s23+$0x4CD0]  }
0xaa: {  	[tilespmem:s23+$0x48D0] =	vst v22;
	v9 =	vsub.f32 v9, v23;
	v54 =	vld [tilespmem:s23+$0x4CE0];
	v16 =	vsub.f32 v20, v16  }
0xab: {  	v55 =	vld [tilespmem:s23+$0x4CF0];
	[tilespmem:s23+$0x48E0] =	vst v25;
	v8 =	vsub.f32 v8, v24;
	v56 =	vsub.f32 v21, v15  }
0xac: {  	v57 =	vld [tilespmem:s23+$0x94E0];
	[tilespmem:s23+$0x48F0] =	vst v9;
	v7 =	vsub.f32 v7, v16;
	v14 =	vsub.f32 v18, v14  }
0xad: {  	v59 =	vld [tilespmem:s23+$0x94F0];
	[tilespmem:s23+$0x4C80] =	vst v8;
	v6 =	vsub.f32 v6, v56;
	v58 =	vsub.f32 v19, v13  }
0xae: {  	[tilespmem:s23+$0x4C90] =	vst v7;
	v5 =	vsub.f32 v5, v14;
	v60 =	vsub.f32 v17, v12  }
0xaf: {  	[tilespmem:s23+$0x4CA0] =	vst v6;
	v4 =	vsub.f32 v4, v58;
	v61 =	vsub.f32 v54, v11  }
0xb0: {  	v62 =	vsub.f32 v55, v10;
	[tilespmem:s23+$0x4CB0] =	vst v5;
	v3 =	vsub.f32 v3, v60  }
0xb1: {  	[tilespmem:s23+$0x4CC0] =	vst v4;
	v63 =	vsub.f32 v57, v61  }
0xb2: {  	s22 =	sadd.s32 $0x1, s22;
	[tilespmem:s23+$0x4CD0] =	vst v3;
	v3 =	vsub.f32 v59, v62  }
0xb3: {  	p0 =	sne.s32 s22, s8;
	[tilespmem:s23+$0x4CE0] =	vst v63  }
.Ltmp1:
0xb4: {  	[tilespmem:s23+$0x4CF0] =	vst v3;
	(pc) =	sbr.rel @p0 .LBB2_1-.Ltmp1, $4  }
0xb5: {  	[hbm4b:s7+s2] =	stream.linear.scatter [tilespmem:s19], [sflag:$0x2], $0x4800, $0x38;
	[tilespmem:$0xD880] =	vst v63  }
0xb6: {  	_ =	swait.ge [sflag:s9], $0x4800  }
0xb7: {  	[sflag:s9] =	ssyncset.done $0x0  }
0xb8: {  	[sflag:s9] =	ssyncadd.s32 $0xFFFFB800  }
0xb9: {  	_ =	sfence.sel $0x180000  }
0xba: {  	[bflag:$0x0] =	sbarrier.arrive $0xFFFF  }
0xbb: {  	p0 =	sne.s32 s0, $0x0;
	_ =	strace $0x9000004A  }
0xbc: {  	s0 =	sadd.s32 @!p0 $0x100000, s1;
	[bflag:$0x2] =	sbarrier.arrive $0xFFFF  }
0xbd: {  	[sflag:s0] =	ssyncadd.tile.s32 @!p0 $0x1;
	_ =	shalt  }
.Lfunc_end2:
_tile_overlayer_lowered:
.L_overlay_start_2:
0xbe: {  	(tag) =	ssettag $0x2  }
0xbf: {  	s0 =	rddreg [dreg:$0x0];
	s2 =	stileid.u32  }
0xc0: {  	s1 =	rddreg [dreg:$0x1];
	p0 =	sne.s32 s2, $0x0  }
0xc1: {  	s3 =	rddreg [dreg:$0x2];
	[bflag:$0x3] =	sbarrier.arrive $0xFFFF;
	s2 =	simm.s32 @!p0 $0x1C02  }
0xc2: {  	[timem:s3], [sflag:s2] =	dma.local @!p0 [hbm:s0], s1  }
0xc3: {  	s0 =	simm.s32 @!p0 $0x2  }
0xc4: {  	_ =	swait.ge @!p0 [sflag:s0], s1  }
0xc5: {  	s1 =	ssub.s32 @!p0 $0x0, s1;
	[sflag:s0] =	ssyncset.done @!p0 $0x0  }
0xc6: {  	[sflag:s0] =	ssyncadd.s32 @!p0 s1  }
0xc7: {  	[bflag:$0x3] =	sbarrier.arrive $0xFFFF  }
0xc8: {  	_ =	shalt  }

</sc_bundles>
